<compile_context>
chip_gen: v7x
topology: tpu7x:2x2x1
jax: 0.10.2.dev20260603
libtpu: 0.0.44.dev20260713+nightly
codegen_flags: <defaults>
</compile_context>

<pallas_src>
import functools

import jax
import jax.numpy as jnp
from jax import lax
from jax.experimental import pallas as pl
from jax.experimental.pallas import tpu as pltpu
from jax.experimental.pallas import tpu_sc as plsc

NEG = 0.2
NC, NS, LANES = 2, 16, 16
NW = NC * NS


def _build_tables(enc, W, a_src_pad, a_dst_pad, srow):
    n, d = enc.shape
    hc = W.shape[1]
    bs = 2000 if n % 2000 == 0 else n

    def body(enc_ref, w_ref, as_ref, ad_ref, s_ref, t_ref):
        xw = jnp.dot(enc_ref[...], w_ref[...], preferred_element_type=jnp.float32)
        s_ref[:, 0:hc] = xw
        s_ref[:, hc:srow] = jnp.dot(xw, as_ref[...], preferred_element_type=jnp.float32)
        t_ref[...] = jnp.dot(xw, ad_ref[...], preferred_element_type=jnp.float32)

    return pl.pallas_call(
        body,
        grid=(n // bs,),
        in_specs=[
            pl.BlockSpec((bs, d), lambda i: (i, 0)),
            pl.BlockSpec((d, hc), lambda i: (0, 0)),
            pl.BlockSpec((d, 16), lambda i: (0, 0)),
            pl.BlockSpec((d, 16), lambda i: (0, 0)),
        ],
        out_specs=[
            pl.BlockSpec((bs, srow), lambda i: (i, 0)),
            pl.BlockSpec((bs, 16), lambda i: (i, 0)),
        ],
        out_shape=[
            jax.ShapeDtypeStruct((n, srow), jnp.float32),
            jax.ShapeDtypeStruct((n, 16), jnp.float32),
        ],
    )(enc, W, a_src_pad, a_dst_pad)


def _sc_edge_pass(S, T, e_src, e_dst, n, srow, h, c):
    e_total = e_src.shape[0]
    ept = e_total // NW
    ch = 80
    nch = ept // ch
    rpt = n // NS
    zr = 125
    hc = h * c
    mesh = plsc.VectorSubcoreMesh(
        core_axis_name="c", subcore_axis_name="s", num_cores=NC, num_subcores=NS
    )

    @functools.partial(
        pl.kernel,
        out_type=jax.ShapeDtypeStruct((NC * n, srow), jnp.float32),
        mesh=mesh,
        compiler_params=pltpu.CompilerParams(
            use_tc_tiling_on_sc=False, needs_layout_passes=False
        ),
        scratch_types=[
            pltpu.VMEM((ch,), jnp.int32),
            pltpu.VMEM((ch,), jnp.int32),
            pltpu.VMEM((ch, srow), jnp.float32),
            pltpu.VMEM((ch, 16), jnp.float32),
            pltpu.VMEM((zr, srow), jnp.float32),
            pltpu.VMEM_SHARED((n, srow), jnp.float32),
            pltpu.SemaphoreType.DMA,
            pltpu.SemaphoreType.DMA,
        ],
    )
    def body(s_hbm, t_hbm, src_hbm, dst_hbm, out_hbm, srcv, dstv, rowsv, adstv,
             zbuf, acc, sem1, sem2):
        cid = lax.axis_index("c")
        sid = lax.axis_index("s")
        wid = cid * NS + sid

        vper = srow // LANES

        def zb(k, carry):
            r = k // vper
            col = (k % vper) * LANES
            zbuf[r, pl.ds(col, LANES)] = jnp.zeros((LANES,), jnp.float32)
            return carry

        lax.fori_loop(0, zr * vper, zb, 0)

        def zc(q, carry):
            pltpu.sync_copy(zbuf, acc.at[pl.ds(sid * rpt + q * zr, zr)])
            return carry

        lax.fori_loop(0, rpt // zr, zc, 0)
        plsc.subcore_barrier()

        ebase = wid * ept

        def chunk(j, carry):
            base = ebase + j * ch
            pltpu.sync_copy(src_hbm.at[pl.ds(base, ch)], srcv)
            pltpu.sync_copy(dst_hbm.at[pl.ds(base, ch)], dstv)
            cp1 = pltpu.async_copy(s_hbm.at[srcv], rowsv, sem1)
            cp2 = pltpu.async_copy(t_hbm.at[dstv], adstv, sem2)
            cp1.wait()
            cp2.wait()

            def edge(e, ecarry):
                arow = rowsv[e, pl.ds(hc, LANES)]
                ad = adstv[e, :]
                al = arow + ad
                al = jnp.where(al >= 0, al, al * NEG)
                w = jnp.exp(al)
                rowsv[e, pl.ds(hc, LANES)] = w
                eidx = jnp.full((LANES,), e, jnp.int32)
                for hh in range(h):
                    coeff = plsc.load_gather(
                        rowsv, [eidx, jnp.full((LANES,), hc + hh, jnp.int32)]
                    )
                    for half in range(c // LANES):
                        off = hh * c + half * LANES
                        rowsv[e, pl.ds(off, LANES)] = (
                            rowsv[e, pl.ds(off, LANES)] * coeff
                        )
                return ecarry

            lax.fori_loop(0, ch, edge, 0)
            pltpu.sync_copy(rowsv, acc.at[dstv], add=True)
            return carry

        lax.fori_loop(0, nch, chunk, 0)
        plsc.subcore_barrier()

        def rb(q, carry):
            roff = sid * rpt + q * zr
            pltpu.sync_copy(acc.at[pl.ds(roff, zr)], zbuf)
            pltpu.sync_copy(zbuf, out_hbm.at[pl.ds(cid * n + roff, zr)])
            return carry

        lax.fori_loop(0, rpt // zr, rb, 0)

    return body(S, T, e_src, e_dst)


def _finalize(S, T, acc, rep, bias2d, n, srow, h, c):
    hc = h * c
    bs = 2000 if n % 2000 == 0 else n

    def body(s_ref, t_ref, acc_ref, r_ref, b_ref, o_ref):
        x = s_ref[:, 0:hc]
        asrc = s_ref[:, hc:hc + h]
        adst = t_ref[:, 0:h]
        al = asrc + adst
        al = jnp.where(al >= 0, al, al * NEG)
        wl = jnp.exp(al)
        accs = acc_ref[0] + acc_ref[1]
        numer = accs[:, 0:hc] + x * jnp.dot(
            wl, r_ref[...], preferred_element_type=jnp.float32
        )
        den = accs[:, hc:hc + h] + wl
        denr = jnp.dot(den, r_ref[...], preferred_element_type=jnp.float32)
        o_ref[...] = numer / (denr + 1e-16) + b_ref[...]

    return pl.pallas_call(
        body,
        grid=(n // bs,),
        in_specs=[
            pl.BlockSpec((bs, srow), lambda i: (i, 0)),
            pl.BlockSpec((bs, 16), lambda i: (i, 0)),
            pl.BlockSpec((NC, bs, srow), lambda i: (0, i, 0)),
            pl.BlockSpec((h, hc), lambda i: (0, 0)),
            pl.BlockSpec((1, hc), lambda i: (0, 0)),
        ],
        out_specs=pl.BlockSpec((bs, hc), lambda i: (i, 0)),
        out_shape=jax.ShapeDtypeStruct((n, hc), jnp.float32),
    )(S, T, acc, rep, bias2d)


def kernel(encodings, subnetwork, W, att_src, att_dst, bias):
    n, d = encodings.shape
    h, c = att_src.shape
    hc = h * c
    srow = hc + 16

    eye = jnp.eye(h, 16, dtype=jnp.float32)
    a_src_pad = (att_src[:, :, None] * eye[:, None, :]).reshape(hc, 16)
    a_dst_pad = (att_dst[:, :, None] * eye[:, None, :]).reshape(hc, 16)
    rep = jnp.repeat(jnp.eye(h, dtype=jnp.float32), c, axis=1)
    bias2d = bias.reshape(1, hc)

    S, T = _build_tables(encodings, W, a_src_pad, a_dst_pad, srow)
    acc = _sc_edge_pass(S, T, subnetwork[0], subnetwork[1], n, srow, h, c)
    acc = acc.reshape(NC, n, srow)
    return _finalize(S, T, acc, rep, bias2d, n, srow, h, c)

# --- scband reference (transcript-rebuilt; emitter-appended) ---
"""Pipeline reference for scband-gat-10247791969041 (READ-ONLY COPY).

The authoritative reference and input builder live on the scoring server;
editing this copy changes nothing except your own understanding.
"""

import jax, jax.numpy as jnp
import numpy as np

N = 10000
E = 320000
D = 128
H = 4
C = 32  # embedding_dim // nb_attn_heads
NEG_SLOPE = 0.2


def setup_inputs(seed: int = 0) -> dict:
    key = jax.random.key(seed)
    k1, k2, k3, k4, k5 = jax.random.split(key, 5)
    encodings = jax.random.normal(k1, (N, D), dtype=jnp.float32)
    subnetwork = jax.random.randint(k2, (2, E), 0, N, dtype=jnp.int32)
    W = jax.random.normal(k3, (D, H * C), dtype=jnp.float32) * 0.1
    att_src = jax.random.normal(k4, (H, C), dtype=jnp.float32) * 0.1
    att_dst = jax.random.normal(k5, (H, C), dtype=jnp.float32) * 0.1
    bias = jnp.zeros((H * C,), dtype=jnp.float32)
    return {"encodings": encodings, "subnetwork": subnetwork, "W": W,
            "att_src": att_src, "att_dst": att_dst, "bias": bias}


def reference(encodings, subnetwork, W, att_src, att_dst, bias):
    # GATConv (PyG v1 semantics): heads=4, concat=True, add_self_loops=True,
    # dropout inactive at eval time.
    n = encodings.shape[0]
    loop = jnp.arange(n, dtype=subnetwork.dtype)
    ei = jnp.concatenate([subnetwork, jnp.stack([loop, loop], axis=0)], axis=1)
    src, dst = ei[0], ei[1]

    x = (encodings @ W).reshape(n, H, C)
    a_src = (x * att_src[None, :, :]).sum(-1)  # [N, H]
    a_dst = (x * att_dst[None, :, :]).sum(-1)  # [N, H]

    alpha = a_src[src] + a_dst[dst]            # [Etot, H]
    alpha = jax.nn.leaky_relu(alpha, NEG_SLOPE)

    # softmax over incoming edges per destination node
    amax = jax.ops.segment_max(alpha, dst, num_segments=n)
    amax = jnp.where(jnp.isfinite(amax), amax, 0.0)
    ex = jnp.exp(alpha - amax[dst])
    denom = jax.ops.segment_sum(ex, dst, num_segments=n)
    attn = ex / (denom[dst] + 1e-16)           # [Etot, H]

    msg = x[src] * attn[:, :, None]            # [Etot, H, C]
    out = jax.ops.segment_sum(msg, dst, num_segments=n)  # [N, H, C]
    out = out.reshape(n, H * C) + bias
    return out

if __name__ == "__main__":
    import jax
    _d = setup_inputs()
    print(jax.jit(kernel)(*tuple(_d.values())))

</pallas_src>

<mosaic_0001>
#map = affine_map<(d0, d1) -> (0, 0)>
#map1 = affine_map<(d0, d1) -> (0)>
module attributes {stable_mosaic.version = 14 : i64} {
  func.func @body(%arg0: i32, %arg1: i32, %arg2: memref<10000x144xf32, #tpu.memory_space<hbm>>, %arg3: memref<10000x16xf32, #tpu.memory_space<hbm>>, %arg4: memref<320000xi32, #tpu.memory_space<hbm>>, %arg5: memref<320000xi32, #tpu.memory_space<hbm>>, %arg6: memref<20000x144xf32, #tpu.memory_space<hbm>>, %arg7: memref<80xi32, #tpu.memory_space<vmem>>, %arg8: memref<80xi32, #tpu.memory_space<vmem>>, %arg9: memref<80x144xf32, #tpu.memory_space<vmem>>, %arg10: memref<80x16xf32, #tpu.memory_space<vmem>>, %arg11: memref<125x144xf32, #tpu.memory_space<vmem>>, %arg12: memref<10000x144xf32, #tpu.memory_space<vmem_shared>>, %arg13: memref<!tpu.dma_semaphore, #tpu.memory_space<semaphore_mem>>, %arg14: memref<!tpu.dma_semaphore, #tpu.memory_space<semaphore_mem>>) attributes {dimension_semantics = [#tpu.dimension_semantics<core_parallel>, #tpu.dimension_semantics<subcore_parallel>], iteration_bounds = array<i64: 2, 16>, scalar_prefetch = 0 : i64, scratch_operands = 8 : i64, tpu.core_type = #tpu.core_type<sc_vector_subcore>, window_params = [{transform_indices = #map}, {transform_indices = #map}, {transform_indices = #map1}, {transform_indices = #map1}, {transform_indices = #map}]} {
    %mul3A = arith.constant 16 : i32
    %mul3A_0 = arith.muli %arg0, %mul3A : i32
    %add3A = arith.addi %mul3A_0, %arg1 : i32
    %scan3A = arith.constant 0 : i32
    %scan3A_1 = arith.constant 0 : i32
    %scan3A_2 = arith.constant 1125 : i32
    %scan3A_3 = arith.addi %scan3A_1, %scan3A_2 : i32
    %scan3A_4 = arith.constant 1 : i32
    scf.for %scan3A_27 = %scan3A_1 to %scan3A_3 step %scan3A_4  : i32 {
      %jit3A = arith.constant 9 : i32
      %div3A = arith.divsi %scan3A_27, %jit3A : i32
      %sign3A = arith.constant 0 : i32
      %sign3A_28 = arith.cmpi sgt, %scan3A_27, %sign3A : i32
      %sign3A_29 = arith.extui %sign3A_28 : i1 to i32
      %sign3A_30 = arith.constant 0 : i32
      %sign3A_31 = arith.cmpi slt, %scan3A_27, %sign3A_30 : i32
      %sign3A_32 = arith.extui %sign3A_31 : i1 to i32
      %sign3A_33 = arith.subi %sign3A_29, %sign3A_32 : i32
      %sign3A_34 = arith.constant 0 : i32
      %sign3A_35 = arith.cmpi sgt, %jit3A, %sign3A_34 : i32
      %sign3A_36 = arith.extui %sign3A_35 : i1 to i32
      %sign3A_37 = arith.constant 0 : i32
      %sign3A_38 = arith.cmpi slt, %jit3A, %sign3A_37 : i32
      %sign3A_39 = arith.extui %sign3A_38 : i1 to i32
      %sign3A_40 = arith.subi %sign3A_36, %sign3A_39 : i32
      %ne3A = arith.cmpi ne, %sign3A_33, %sign3A_40 : i32
      %rem3A = arith.remsi %scan3A_27, %jit3A : i32
      %ne3A_41 = arith.constant 0 : i32
      %ne3A_42 = arith.cmpi ne, %rem3A, %ne3A_41 : i32
      %and3A = arith.andi %ne3A, %ne3A_42 : i1
      %sub3A = arith.constant 1 : i32
      %sub3A_43 = arith.subi %div3A, %sub3A : i32
      %select_n3A = arith.select %and3A, %sub3A_43, %div3A : i32
      %jit3A_44 = arith.constant 9 : i32
      %eq3A = arith.constant 0 : i32
      %eq3A_45 = arith.cmpi eq, %jit3A_44, %eq3A : i32
      %jit3A_46 = arith.constant 1 : i32
      %select_n3A_47 = arith.select %eq3A_45, %jit3A_46, %jit3A_44 : i32
      %rem3A_48 = arith.remsi %scan3A_27, %select_n3A_47 : i32
      %ne3A_49 = arith.constant 0 : i32
      %ne3A_50 = arith.cmpi ne, %rem3A_48, %ne3A_49 : i32
      %lt3A = arith.constant 0 : i32
      %lt3A_51 = arith.cmpi slt, %rem3A_48, %lt3A : i32
      %lt3A_52 = arith.constant 0 : i32
      %lt3A_53 = arith.cmpi slt, %select_n3A_47, %lt3A_52 : i32
      %ne3A_54 = arith.xori %lt3A_51, %lt3A_53 : i1
      %and3A_55 = arith.andi %ne3A_54, %ne3A_50 : i1
      %add3A_56 = arith.addi %rem3A_48, %select_n3A_47 : i32
      %select_n3A_57 = arith.select %and3A_55, %add3A_56, %rem3A_48 : i32
      %mul3A_58 = arith.constant 16 : i32
      %mul3A_59 = arith.muli %select_n3A_57, %mul3A_58 : i32
      %broadcast_in_dim3A = arith.constant 0.000000e+00 : f32
      %broadcast_in_dim3A_60 = vector.broadcast %broadcast_in_dim3A : f32 to vector<16xf32>
      %swap3A = arith.index_cast %select_n3A : i32 to index
      %swap3A_61 = arith.index_cast %mul3A_59 : i32 to index
      %swap3A_62 = tpu.vector_load %arg11[%swap3A, %swap3A_61] {strides = array<i32>} : memref<125x144xf32, #tpu.memory_space<vmem>>, vector<16xf32>,
      tpu.vector_store %arg11[%swap3A, %swap3A_61], %broadcast_in_dim3A_60 {strides = array<i32>} : memref<125x144xf32, #tpu.memory_space<vmem>>, vector<16xf32>,
    }
    %scan3A_5 = arith.constant 1125 : i32
    %scan3A_6 = arith.constant 0 : i32
    %scan3A_7 = arith.constant 0 : i32
    %scan3A_8 = arith.constant 5 : i32
    %scan3A_9 = arith.addi %scan3A_7, %scan3A_8 : i32
    %scan3A_10 = arith.constant 1 : i32
    scf.for %scan3A_27 = %scan3A_7 to %scan3A_9 step %scan3A_10  : i32 {
      %mul3A_28 = arith.constant 625 : i32
      %mul3A_29 = arith.muli %arg1, %mul3A_28 : i32
      %mul3A_30 = arith.constant 125 : i32
      %mul3A_31 = arith.muli %scan3A_27, %mul3A_30 : i32
      %add3A_32 = arith.addi %mul3A_29, %mul3A_31 : i32
      "tpu.region"() ({
        %run_scoped3A = tpu.sem_alloc : memref<!tpu.dma_semaphore, #tpu.memory_space<semaphore_mem>>
        %dma_start3A = arith.constant 0 : i32
        %dma_start3A_33 = tpu.memref_slice %arg12[%add3A_32, %dma_start3A] : memref<10000x144xf32, #tpu.memory_space<vmem_shared>> -> memref<125x144xf32, #tpu.memory_space<vmem_shared>>
        %dma_start3A_34 = arith.constant 0 : i32
        %dma_start3A_35 = tpu.memref_slice %arg12[%add3A_32, %dma_start3A_34] : memref<10000x144xf32, #tpu.memory_space<vmem_shared>> -> memref<125x144xf32, #tpu.memory_space<vmem_shared>>
        tpu.enqueue_dma source(%arg11 : memref<125x144xf32, #tpu.memory_space<vmem>>) target(%dma_start3A_35 : memref<125x144xf32, #tpu.memory_space<vmem_shared>>) target_semaphore(%run_scoped3A : memref<!tpu.dma_semaphore, #tpu.memory_space<semaphore_mem>>)
        %dma_wait3A = arith.constant 0 : i32
        %dma_wait3A_36 = tpu.memref_slice %arg12[%add3A_32, %dma_wait3A] : memref<10000x144xf32, #tpu.memory_space<vmem_shared>> -> memref<125x144xf32, #tpu.memory_space<vmem_shared>>
        %dma_wait3A_37 = arith.constant 0 : i32
        %dma_wait3A_38 = tpu.memref_slice %arg12[%add3A_32, %dma_wait3A_37] : memref<10000x144xf32, #tpu.memory_space<vmem_shared>> -> memref<125x144xf32, #tpu.memory_space<vmem_shared>>
        tpu.wait_dma2 semaphore(%run_scoped3A : memref<!tpu.dma_semaphore, #tpu.memory_space<semaphore_mem>>) src(%arg11 : memref<125x144xf32, #tpu.memory_space<vmem>>) dst(%dma_wait3A_38 : memref<125x144xf32, #tpu.memory_space<vmem_shared>>)
        tpu.yield
      }) : () -> ()
    }
    %scan3A_11 = arith.constant 5 : i32
    %barrier3A = arith.constant 0 : index
    tpu.barrier barrier_id(%barrier3A)
    %mul3A_12 = arith.constant 10000 : i32
    %mul3A_13 = arith.muli %add3A, %mul3A_12 : i32
    %scan3A_14 = arith.constant 0 : i32
    %scan3A_15 = arith.constant 0 : i32
    %scan3A_16 = arith.constant 125 : i32
    %scan3A_17 = arith.addi %scan3A_15, %scan3A_16 : i32
    %scan3A_18 = arith.constant 1 : i32
    scf.for %scan3A_27 = %scan3A_15 to %scan3A_17 step %scan3A_18  : i32 {
      %mul3A_28 = arith.constant 80 : i32
      %mul3A_29 = arith.muli %scan3A_27, %mul3A_28 : i32
      %add3A_30 = arith.addi %mul3A_13, %mul3A_29 : i32
      "tpu.region"() ({
        %run_scoped3A = tpu.sem_alloc : memref<!tpu.dma_semaphore, #tpu.memory_space<semaphore_mem>>
        %dma_start3A_47 = tpu.memref_slice %arg4[%add3A_30] : memref<320000xi32, #tpu.memory_space<hbm>> -> memref<80xi32, #tpu.memory_space<hbm>>
        %dma_start3A_48 = tpu.memref_slice %arg4[%add3A_30] : memref<320000xi32, #tpu.memory_space<hbm>> -> memref<80xi32, #tpu.memory_space<hbm>>
        tpu.enqueue_dma source(%dma_start3A_48 : memref<80xi32, #tpu.memory_space<hbm>>) target(%arg7 : memref<80xi32, #tpu.memory_space<vmem>>) target_semaphore(%run_scoped3A : memref<!tpu.dma_semaphore, #tpu.memory_space<semaphore_mem>>)
        %dma_wait3A_49 = tpu.memref_slice %arg4[%add3A_30] : memref<320000xi32, #tpu.memory_space<hbm>> -> memref<80xi32, #tpu.memory_space<hbm>>
        %dma_wait3A_50 = tpu.memref_slice %arg4[%add3A_30] : memref<320000xi32, #tpu.memory_space<hbm>> -> memref<80xi32, #tpu.memory_space<hbm>>
        tpu.wait_dma2 semaphore(%run_scoped3A : memref<!tpu.dma_semaphore, #tpu.memory_space<semaphore_mem>>) src(%dma_wait3A_50 : memref<80xi32, #tpu.memory_space<hbm>>) dst(%arg7 : memref<80xi32, #tpu.memory_space<vmem>>)
        tpu.yield
      }) : () -> ()
      "tpu.region"() ({
        %run_scoped3A = tpu.sem_alloc : memref<!tpu.dma_semaphore, #tpu.memory_space<semaphore_mem>>
        %dma_start3A_47 = tpu.memref_slice %arg5[%add3A_30] : memref<320000xi32, #tpu.memory_space<hbm>> -> memref<80xi32, #tpu.memory_space<hbm>>
        %dma_start3A_48 = tpu.memref_slice %arg5[%add3A_30] : memref<320000xi32, #tpu.memory_space<hbm>> -> memref<80xi32, #tpu.memory_space<hbm>>
        tpu.enqueue_dma source(%dma_start3A_48 : memref<80xi32, #tpu.memory_space<hbm>>) target(%arg8 : memref<80xi32, #tpu.memory_space<vmem>>) target_semaphore(%run_scoped3A : memref<!tpu.dma_semaphore, #tpu.memory_space<semaphore_mem>>)
        %dma_wait3A_49 = tpu.memref_slice %arg5[%add3A_30] : memref<320000xi32, #tpu.memory_space<hbm>> -> memref<80xi32, #tpu.memory_space<hbm>>
        %dma_wait3A_50 = tpu.memref_slice %arg5[%add3A_30] : memref<320000xi32, #tpu.memory_space<hbm>> -> memref<80xi32, #tpu.memory_space<hbm>>
        tpu.wait_dma2 semaphore(%run_scoped3A : memref<!tpu.dma_semaphore, #tpu.memory_space<semaphore_mem>>) src(%dma_wait3A_50 : memref<80xi32, #tpu.memory_space<hbm>>) dst(%arg8 : memref<80xi32, #tpu.memory_space<vmem>>)
        tpu.yield
      }) : () -> ()
      %dma_start3A = arith.constant 0 : i32
      %dma_start3A_31 = arith.constant 0 : i32
      %dma_start3A_32 = tpu.memref_slice %arg2[%dma_start3A, %dma_start3A_31] : memref<10000x144xf32, #tpu.memory_space<hbm>> -> memref<10000x144xf32, #tpu.memory_space<hbm>>
      tpu.enqueue_indirect_dma source(%dma_start3A_32 : memref<10000x144xf32, #tpu.memory_space<hbm>>) target(%arg9 : memref<80x144xf32, #tpu.memory_space<vmem>>) offsets(%arg7 : memref<80xi32, #tpu.memory_space<vmem>>) semaphore(%arg13 : memref<!tpu.dma_semaphore, #tpu.memory_space<semaphore_mem>>)
      %dma_start3A_33 = arith.constant 0 : i32
      %dma_start3A_34 = arith.constant 0 : i32
      %dma_start3A_35 = tpu.memref_slice %arg3[%dma_start3A_33, %dma_start3A_34] : memref<10000x16xf32, #tpu.memory_space<hbm>> -> memref<10000x16xf32, #tpu.memory_space<hbm>>
      tpu.enqueue_indirect_dma source(%dma_start3A_35 : memref<10000x16xf32, #tpu.memory_space<hbm>>) target(%arg10 : memref<80x16xf32, #tpu.memory_space<vmem>>) offsets(%arg8 : memref<80xi32, #tpu.memory_space<vmem>>) semaphore(%arg14 : memref<!tpu.dma_semaphore, #tpu.memory_space<semaphore_mem>>)
      %dma_wait3A = arith.constant 0 : i32
      %dma_wait3A_36 = arith.constant 0 : i32
      %dma_wait3A_37 = tpu.memref_slice %arg2[%dma_wait3A, %dma_wait3A_36] : memref<10000x144xf32, #tpu.memory_space<hbm>> -> memref<10000x144xf32, #tpu.memory_space<hbm>>
      tpu.wait_indirect_dma semaphore(%arg13 : memref<!tpu.dma_semaphore, #tpu.memory_space<semaphore_mem>>) src(%dma_wait3A_37 : memref<10000x144xf32, #tpu.memory_space<hbm>>) dst(%arg9 : memref<80x144xf32, #tpu.memory_space<vmem>>)
      %dma_wait3A_38 = arith.constant 0 : i32
      %dma_wait3A_39 = arith.constant 0 : i32
      %dma_wait3A_40 = tpu.memref_slice %arg3[%dma_wait3A_38, %dma_wait3A_39] : memref<10000x16xf32, #tpu.memory_space<hbm>> -> memref<10000x16xf32, #tpu.memory_space<hbm>>
      tpu.wait_indirect_dma semaphore(%arg14 : memref<!tpu.dma_semaphore, #tpu.memory_space<semaphore_mem>>) src(%dma_wait3A_40 : memref<10000x16xf32, #tpu.memory_space<hbm>>) dst(%arg10 : memref<80x16xf32, #tpu.memory_space<vmem>>)
      %scan3A_41 = arith.constant 0 : i32
      %scan3A_42 = arith.constant 0 : i32
      %scan3A_43 = arith.constant 80 : i32
      %scan3A_44 = arith.addi %scan3A_42, %scan3A_43 : i32
      %scan3A_45 = arith.constant 1 : i32
      scf.for %scan3A_47 = %scan3A_42 to %scan3A_44 step %scan3A_45  : i32 {
        %get3A = arith.index_cast %scan3A_47 : i32 to index
        %get3A_48 = arith.constant 128 : index
        %get3A_49 = tpu.vector_load %arg9[%get3A, %get3A_48] {strides = array<i32>} : memref<80x144xf32, #tpu.memory_space<vmem>>, vector<16xf32>,
        %get3A_50 = arith.index_cast %scan3A_47 : i32 to index
        %get3A_51 = arith.constant 0 : index
        %get3A_52 = tpu.vector_load %arg10[%get3A_50, %get3A_51] {strides = array<i32>} : memref<80x16xf32, #tpu.memory_space<vmem>>, vector<16xf32>,
        %add3A_53 = arith.addf %get3A_49, %get3A_52 : vector<16xf32>
        %ge3A = arith.constant 0.000000e+00 : f32
        %ge3A_54 = vector.broadcast %ge3A : f32 to vector<16xf32>
        %ge3A_55 = arith.cmpf oge, %add3A_53, %ge3A_54 : vector<16xf32>
        %mul3A_56 = arith.constant 2.000000e-01 : f32
        %mul3A_57 = vector.broadcast %mul3A_56 : f32 to vector<16xf32>
        %mul3A_58 = arith.mulf %add3A_53, %mul3A_57 : vector<16xf32>
        %select_n3A = arith.select %ge3A_55, %add3A_53, %mul3A_58 : vector<16xi1>, vector<16xf32>
        %exp3A = math.exp %select_n3A : vector<16xf32>
        %swap3A = arith.index_cast %scan3A_47 : i32 to index
        %swap3A_59 = arith.constant 128 : index
        %swap3A_60 = tpu.vector_load %arg9[%swap3A, %swap3A_59] {strides = array<i32>} : memref<80x144xf32, #tpu.memory_space<vmem>>, vector<16xf32>,
        tpu.vector_store %arg9[%swap3A, %swap3A_59], %exp3A {strides = array<i32>} : memref<80x144xf32, #tpu.memory_space<vmem>>, vector<16xf32>,
        %broadcast_in_dim3A = vector.broadcast %scan3A_47 : i32 to vector<16xi32>
        %broadcast_in_dim3A_61 = arith.constant 128 : i32
        %broadcast_in_dim3A_62 = vector.broadcast %broadcast_in_dim3A_61 : i32 to vector<16xi32>
        %gather3A = tpu.vector_load_idx %arg9[%broadcast_in_dim3A, %broadcast_in_dim3A_62] : memref<80x144xf32, #tpu.memory_space<vmem>>[vector<16xi32>, vector<16xi32>], vector<16xf32>,
        %get3A_63 = arith.index_cast %scan3A_47 : i32 to index
        %get3A_64 = arith.constant 0 : index
        %get3A_65 = tpu.vector_load %arg9[%get3A_63, %get3A_64] {strides = array<i32>} : memref<80x144xf32, #tpu.memory_space<vmem>>, vector<16xf32>,
        %mul3A_66 = arith.mulf %get3A_65, %gather3A : vector<16xf32>
        %swap3A_67 = arith.index_cast %scan3A_47 : i32 to index
        %swap3A_68 = arith.constant 0 : index
        %swap3A_69 = tpu.vector_load %arg9[%swap3A_67, %swap3A_68] {strides = array<i32>} : memref<80x144xf32, #tpu.memory_space<vmem>>, vector<16xf32>,
        tpu.vector_store %arg9[%swap3A_67, %swap3A_68], %mul3A_66 {strides = array<i32>} : memref<80x144xf32, #tpu.memory_space<vmem>>, vector<16xf32>,
        %get3A_70 = arith.index_cast %scan3A_47 : i32 to index
        %get3A_71 = arith.constant 16 : index
        %get3A_72 = tpu.vector_load %arg9[%get3A_70, %get3A_71] {strides = array<i32>} : memref<80x144xf32, #tpu.memory_space<vmem>>, vector<16xf32>,
        %mul3A_73 = arith.mulf %get3A_72, %gather3A : vector<16xf32>
        %swap3A_74 = arith.index_cast %scan3A_47 : i32 to index
        %swap3A_75 = arith.constant 16 : index
        %swap3A_76 = tpu.vector_load %arg9[%swap3A_74, %swap3A_75] {strides = array<i32>} : memref<80x144xf32, #tpu.memory_space<vmem>>, vector<16xf32>,
        tpu.vector_store %arg9[%swap3A_74, %swap3A_75], %mul3A_73 {strides = array<i32>} : memref<80x144xf32, #tpu.memory_space<vmem>>, vector<16xf32>,
        %broadcast_in_dim3A_77 = arith.constant 129 : i32
        %broadcast_in_dim3A_78 = vector.broadcast %broadcast_in_dim3A_77 : i32 to vector<16xi32>
        %gather3A_79 = tpu.vector_load_idx %arg9[%broadcast_in_dim3A, %broadcast_in_dim3A_78] : memref<80x144xf32, #tpu.memory_space<vmem>>[vector<16xi32>, vector<16xi32>], vector<16xf32>,
        %get3A_80 = arith.index_cast %scan3A_47 : i32 to index
        %get3A_81 = arith.constant 32 : index
        %get3A_82 = tpu.vector_load %arg9[%get3A_80, %get3A_81] {strides = array<i32>} : memref<80x144xf32, #tpu.memory_space<vmem>>, vector<16xf32>,
        %mul3A_83 = arith.mulf %get3A_82, %gather3A_79 : vector<16xf32>
        %swap3A_84 = arith.index_cast %scan3A_47 : i32 to index
        %swap3A_85 = arith.constant 32 : index
        %swap3A_86 = tpu.vector_load %arg9[%swap3A_84, %swap3A_85] {strides = array<i32>} : memref<80x144xf32, #tpu.memory_space<vmem>>, vector<16xf32>,
        tpu.vector_store %arg9[%swap3A_84, %swap3A_85], %mul3A_83 {strides = array<i32>} : memref<80x144xf32, #tpu.memory_space<vmem>>, vector<16xf32>,
        %get3A_87 = arith.index_cast %scan3A_47 : i32 to index
        %get3A_88 = arith.constant 48 : index
        %get3A_89 = tpu.vector_load %arg9[%get3A_87, %get3A_88] {strides = array<i32>} : memref<80x144xf32, #tpu.memory_space<vmem>>, vector<16xf32>,
        %mul3A_90 = arith.mulf %get3A_89, %gather3A_79 : vector<16xf32>
        %swap3A_91 = arith.index_cast %scan3A_47 : i32 to index
        %swap3A_92 = arith.constant 48 : index
        %swap3A_93 = tpu.vector_load %arg9[%swap3A_91, %swap3A_92] {strides = array<i32>} : memref<80x144xf32, #tpu.memory_space<vmem>>, vector<16xf32>,
        tpu.vector_store %arg9[%swap3A_91, %swap3A_92], %mul3A_90 {strides = array<i32>} : memref<80x144xf32, #tpu.memory_space<vmem>>, vector<16xf32>,
        %broadcast_in_dim3A_94 = arith.constant 130 : i32
        %broadcast_in_dim3A_95 = vector.broadcast %broadcast_in_dim3A_94 : i32 to vector<16xi32>
        %gather3A_96 = tpu.vector_load_idx %arg9[%broadcast_in_dim3A, %broadcast_in_dim3A_95] : memref<80x144xf32, #tpu.memory_space<vmem>>[vector<16xi32>, vector<16xi32>], vector<16xf32>,
        %get3A_97 = arith.index_cast %scan3A_47 : i32 to index
        %get3A_98 = arith.constant 64 : index
        %get3A_99 = tpu.vector_load %arg9[%get3A_97, %get3A_98] {strides = array<i32>} : memref<80x144xf32, #tpu.memory_space<vmem>>, vector<16xf32>,
        %mul3A_100 = arith.mulf %get3A_99, %gather3A_96 : vector<16xf32>
        %swap3A_101 = arith.index_cast %scan3A_47 : i32 to index
        %swap3A_102 = arith.constant 64 : index
        %swap3A_103 = tpu.vector_load %arg9[%swap3A_101, %swap3A_102] {strides = array<i32>} : memref<80x144xf32, #tpu.memory_space<vmem>>, vector<16xf32>,
        tpu.vector_store %arg9[%swap3A_101, %swap3A_102], %mul3A_100 {strides = array<i32>} : memref<80x144xf32, #tpu.memory_space<vmem>>, vector<16xf32>,
        %get3A_104 = arith.index_cast %scan3A_47 : i32 to index
        %get3A_105 = arith.constant 80 : index
        %get3A_106 = tpu.vector_load %arg9[%get3A_104, %get3A_105] {strides = array<i32>} : memref<80x144xf32, #tpu.memory_space<vmem>>, vector<16xf32>,
        %mul3A_107 = arith.mulf %get3A_106, %gather3A_96 : vector<16xf32>
        %swap3A_108 = arith.index_cast %scan3A_47 : i32 to index
        %swap3A_109 = arith.constant 80 : index
        %swap3A_110 = tpu.vector_load %arg9[%swap3A_108, %swap3A_109] {strides = array<i32>} : memref<80x144xf32, #tpu.memory_space<vmem>>, vector<16xf32>,
        tpu.vector_store %arg9[%swap3A_108, %swap3A_109], %mul3A_107 {strides = array<i32>} : memref<80x144xf32, #tpu.memory_space<vmem>>, vector<16xf32>,
        %broadcast_in_dim3A_111 = arith.constant 131 : i32
        %broadcast_in_dim3A_112 = vector.broadcast %broadcast_in_dim3A_111 : i32 to vector<16xi32>
        %gather3A_113 = tpu.vector_load_idx %arg9[%broadcast_in_dim3A, %broadcast_in_dim3A_112] : memref<80x144xf32, #tpu.memory_space<vmem>>[vector<16xi32>, vector<16xi32>], vector<16xf32>,
        %get3A_114 = arith.index_cast %scan3A_47 : i32 to index
        %get3A_115 = arith.constant 96 : index
        %get3A_116 = tpu.vector_load %arg9[%get3A_114, %get3A_115] {strides = array<i32>} : memref<80x144xf32, #tpu.memory_space<vmem>>, vector<16xf32>,
        %mul3A_117 = arith.mulf %get3A_116, %gather3A_113 : vector<16xf32>
        %swap3A_118 = arith.index_cast %scan3A_47 : i32 to index
        %swap3A_119 = arith.constant 96 : index
        %swap3A_120 = tpu.vector_load %arg9[%swap3A_118, %swap3A_119] {strides = array<i32>} : memref<80x144xf32, #tpu.memory_space<vmem>>, vector<16xf32>,
        tpu.vector_store %arg9[%swap3A_118, %swap3A_119], %mul3A_117 {strides = array<i32>} : memref<80x144xf32, #tpu.memory_space<vmem>>, vector<16xf32>,
        %get3A_121 = arith.index_cast %scan3A_47 : i32 to index
        %get3A_122 = arith.constant 112 : index
        %get3A_123 = tpu.vector_load %arg9[%get3A_121, %get3A_122] {strides = array<i32>} : memref<80x144xf32, #tpu.memory_space<vmem>>, vector<16xf32>,
        %mul3A_124 = arith.mulf %get3A_123, %gather3A_113 : vector<16xf32>
        %swap3A_125 = arith.index_cast %scan3A_47 : i32 to index
        %swap3A_126 = arith.constant 112 : index
        %swap3A_127 = tpu.vector_load %arg9[%swap3A_125, %swap3A_126] {strides = array<i32>} : memref<80x144xf32, #tpu.memory_space<vmem>>, vector<16xf32>,
        tpu.vector_store %arg9[%swap3A_125, %swap3A_126], %mul3A_124 {strides = array<i32>} : memref<80x144xf32, #tpu.memory_space<vmem>>, vector<16xf32>,
      }
      %scan3A_46 = arith.constant 80 : i32
      "tpu.region"() ({
        %run_scoped3A = tpu.sem_alloc : memref<!tpu.dma_semaphore, #tpu.memory_space<semaphore_mem>>
        %dma_start3A_47 = arith.constant 0 : i32
        %dma_start3A_48 = arith.constant 0 : i32
        %dma_start3A_49 = tpu.memref_slice %arg12[%dma_start3A_47, %dma_start3A_48] : memref<10000x144xf32, #tpu.memory_space<vmem_shared>> -> memref<10000x144xf32, #tpu.memory_space<vmem_shared>>
        tpu.enqueue_indirect_dma source(%arg9 : memref<80x144xf32, #tpu.memory_space<vmem>>) target(%dma_start3A_49 : memref<10000x144xf32, #tpu.memory_space<vmem_shared>>) offsets(%arg8 : memref<80xi32, #tpu.memory_space<vmem>>) semaphore(%run_scoped3A : memref<!tpu.dma_semaphore, #tpu.memory_space<semaphore_mem>>) {add = true}
        %dma_wait3A_50 = arith.constant 0 : i32
        %dma_wait3A_51 = arith.constant 0 : i32
        %dma_wait3A_52 = tpu.memref_slice %arg12[%dma_wait3A_50, %dma_wait3A_51] : memref<10000x144xf32, #tpu.memory_space<vmem_shared>> -> memref<10000x144xf32, #tpu.memory_space<vmem_shared>>
        tpu.wait_indirect_dma semaphore(%run_scoped3A : memref<!tpu.dma_semaphore, #tpu.memory_space<semaphore_mem>>) src(%arg9 : memref<80x144xf32, #tpu.memory_space<vmem>>) dst(%dma_wait3A_52 : memref<10000x144xf32, #tpu.memory_space<vmem_shared>>)
        tpu.yield
      }) : () -> ()
    }
    %scan3A_19 = arith.constant 125 : i32
    %barrier3A_20 = arith.constant 0 : index
    tpu.barrier barrier_id(%barrier3A_20)
    %scan3A_21 = arith.constant 0 : i32
    %scan3A_22 = arith.constant 0 : i32
    %scan3A_23 = arith.constant 5 : i32
    %scan3A_24 = arith.addi %scan3A_22, %scan3A_23 : i32
    %scan3A_25 = arith.constant 1 : i32
    scf.for %scan3A_27 = %scan3A_22 to %scan3A_24 step %scan3A_25  : i32 {
      %mul3A_28 = arith.constant 625 : i32
      %mul3A_29 = arith.muli %arg1, %mul3A_28 : i32
      %mul3A_30 = arith.constant 125 : i32
      %mul3A_31 = arith.muli %scan3A_27, %mul3A_30 : i32
      %add3A_32 = arith.addi %mul3A_29, %mul3A_31 : i32
      "tpu.region"() ({
        %run_scoped3A = tpu.sem_alloc : memref<!tpu.dma_semaphore, #tpu.memory_space<semaphore_mem>>
        %dma_start3A = arith.constant 0 : i32
        %dma_start3A_36 = tpu.memref_slice %arg12[%add3A_32, %dma_start3A] : memref<10000x144xf32, #tpu.memory_space<vmem_shared>> -> memref<125x144xf32, #tpu.memory_space<vmem_shared>>
        %dma_start3A_37 = arith.constant 0 : i32
        %dma_start3A_38 = tpu.memref_slice %arg12[%add3A_32, %dma_start3A_37] : memref<10000x144xf32, #tpu.memory_space<vmem_shared>> -> memref<125x144xf32, #tpu.memory_space<vmem_shared>>
        tpu.enqueue_dma source(%dma_start3A_38 : memref<125x144xf32, #tpu.memory_space<vmem_shared>>) target(%arg11 : memref<125x144xf32, #tpu.memory_space<vmem>>) target_semaphore(%run_scoped3A : memref<!tpu.dma_semaphore, #tpu.memory_space<semaphore_mem>>)
        %dma_wait3A = arith.constant 0 : i32
        %dma_wait3A_39 = tpu.memref_slice %arg12[%add3A_32, %dma_wait3A] : memref<10000x144xf32, #tpu.memory_space<vmem_shared>> -> memref<125x144xf32, #tpu.memory_space<vmem_shared>>
        %dma_wait3A_40 = arith.constant 0 : i32
        %dma_wait3A_41 = tpu.memref_slice %arg12[%add3A_32, %dma_wait3A_40] : memref<10000x144xf32, #tpu.memory_space<vmem_shared>> -> memref<125x144xf32, #tpu.memory_space<vmem_shared>>
        tpu.wait_dma2 semaphore(%run_scoped3A : memref<!tpu.dma_semaphore, #tpu.memory_space<semaphore_mem>>) src(%dma_wait3A_41 : memref<125x144xf32, #tpu.memory_space<vmem_shared>>) dst(%arg11 : memref<125x144xf32, #tpu.memory_space<vmem>>)
        tpu.yield
      }) : () -> ()
      %mul3A_33 = arith.constant 10000 : i32
      %mul3A_34 = arith.muli %arg0, %mul3A_33 : i32
      %add3A_35 = arith.addi %mul3A_34, %add3A_32 : i32
      "tpu.region"() ({
        %run_scoped3A = tpu.sem_alloc : memref<!tpu.dma_semaphore, #tpu.memory_space<semaphore_mem>>
        %dma_start3A = arith.constant 0 : i32
        %dma_start3A_36 = tpu.memref_slice %arg6[%add3A_35, %dma_start3A] : memref<20000x144xf32, #tpu.memory_space<hbm>> -> memref<125x144xf32, #tpu.memory_space<hbm>>
        %dma_start3A_37 = arith.constant 0 : i32
        %dma_start3A_38 = tpu.memref_slice %arg6[%add3A_35, %dma_start3A_37] : memref<20000x144xf32, #tpu.memory_space<hbm>> -> memref<125x144xf32, #tpu.memory_space<hbm>>
        tpu.enqueue_dma source(%arg11 : memref<125x144xf32, #tpu.memory_space<vmem>>) target(%dma_start3A_38 : memref<125x144xf32, #tpu.memory_space<hbm>>) target_semaphore(%run_scoped3A : memref<!tpu.dma_semaphore, #tpu.memory_space<semaphore_mem>>)
        %dma_wait3A = arith.constant 0 : i32
        %dma_wait3A_39 = tpu.memref_slice %arg6[%add3A_35, %dma_wait3A] : memref<20000x144xf32, #tpu.memory_space<hbm>> -> memref<125x144xf32, #tpu.memory_space<hbm>>
        %dma_wait3A_40 = arith.constant 0 : i32
        %dma_wait3A_41 = tpu.memref_slice %arg6[%add3A_35, %dma_wait3A_40] : memref<20000x144xf32, #tpu.memory_space<hbm>> -> memref<125x144xf32, #tpu.memory_space<hbm>>
        tpu.wait_dma2 semaphore(%run_scoped3A : memref<!tpu.dma_semaphore, #tpu.memory_space<semaphore_mem>>) src(%arg11 : memref<125x144xf32, #tpu.memory_space<vmem>>) dst(%dma_wait3A_41 : memref<125x144xf32, #tpu.memory_space<hbm>>)
        tpu.yield
      }) : () -> ()
    }
    %scan3A_26 = arith.constant 5 : i32
    return
  }
}

module attributes {stable_mosaic.version = 14 : i64} {
  func.func @body(%arg0: i32, %arg1: memref<2000x128xf32, #tpu.memory_space<vmem>>, %arg2: memref<128x128xf32, #tpu.memory_space<vmem>>, %arg3: memref<128x16xf32, #tpu.memory_space<vmem>>, %arg4: memref<128x16xf32, #tpu.memory_space<vmem>>, %arg5: memref<2000x144xf32, #tpu.memory_space<vmem>>, %arg6: memref<2000x16xf32, #tpu.memory_space<vmem>>) attributes {dimension_semantics = [#tpu.dimension_semantics<arbitrary>], iteration_bounds = array<i64: 5>, scalar_prefetch = 0 : i64, scratch_operands = 0 : i64, tpu.core_type = #tpu.core_type<tc>, window_params = [{transform_indices = @transform_0, window_bounds = array<i64: 2000, 128>}, {pipeline_mode = #tpu.pipeline_mode<synchronous>, transform_indices = @transform_1, window_bounds = array<i64: 128, 128>}, {pipeline_mode = #tpu.pipeline_mode<synchronous>, transform_indices = @transform_2, window_bounds = array<i64: 128, 16>}, {pipeline_mode = #tpu.pipeline_mode<synchronous>, transform_indices = @transform_3, window_bounds = array<i64: 128, 16>}, {transform_indices = @transform_4, window_bounds = array<i64: 2000, 144>}, {transform_indices = @transform_5, window_bounds = array<i64: 2000, 16>}]} {
    %get3A = arith.constant 0 : index
    %get3A_0 = arith.constant 0 : index
    %get3A_1 = vector.load %arg1[%get3A, %get3A_0] : memref<2000x128xf32, #tpu.memory_space<vmem>>, vector<2000x128xf32>
    %get3A_2 = arith.constant 0 : index
    %get3A_3 = arith.constant 0 : index
    %get3A_4 = vector.load %arg2[%get3A_2, %get3A_3] : memref<128x128xf32, #tpu.memory_space<vmem>>, vector<128x128xf32>
    %dot_general3A = arith.constant dense<0.000000e+00> : vector<2000x128xf32>
    %dot_general3A_5 = tpu.matmul %get3A_1, %get3A_4, %dot_general3A {dimension_numbers = #tpu.dot_dimension_numbers<[1], [0], [0], [1], [0, 0, 1, 1], [], []>, transpose_lhs_hint = false} : vector<2000x128xf32>, vector<128x128xf32>, vector<2000x128xf32> -> vector<2000x128xf32>
    %swap3A = arith.constant 0 : index
    %swap3A_6 = arith.constant 0 : index
    %swap3A_7 = vector.load %arg5[%swap3A, %swap3A_6] : memref<2000x144xf32, #tpu.memory_space<vmem>>, vector<2000x128xf32>
    tpu.vector_store %arg5[%swap3A, %swap3A_6], %dot_general3A_5 {strides = array<i32>} : memref<2000x144xf32, #tpu.memory_space<vmem>>, vector<2000x128xf32>,
    %get3A_8 = arith.constant 0 : index
    %get3A_9 = arith.constant 0 : index
    %get3A_10 = vector.load %arg3[%get3A_8, %get3A_9] : memref<128x16xf32, #tpu.memory_space<vmem>>, vector<128x16xf32>
    %dot_general3A_11 = arith.constant dense<0.000000e+00> : vector<2000x16xf32>
    %dot_general3A_12 = tpu.matmul %dot_general3A_5, %get3A_10, %dot_general3A_11 {dimension_numbers = #tpu.dot_dimension_numbers<[1], [0], [0], [1], [0, 0, 1, 1], [], []>, transpose_lhs_hint = false} : vector<2000x128xf32>, vector<128x16xf32>, vector<2000x16xf32> -> vector<2000x16xf32>
    %swap3A_13 = arith.constant 0 : index
    %swap3A_14 = arith.constant 128 : index
    %swap3A_15 = vector.load %arg5[%swap3A_13, %swap3A_14] : memref<2000x144xf32, #tpu.memory_space<vmem>>, vector<2000x16xf32>
    tpu.vector_store %arg5[%swap3A_13, %swap3A_14], %dot_general3A_12 {strides = array<i32>} : memref<2000x144xf32, #tpu.memory_space<vmem>>, vector<2000x16xf32>,
    %get3A_16 = arith.constant 0 : index
    %get3A_17 = arith.constant 0 : index
    %get3A_18 = vector.load %arg4[%get3A_16, %get3A_17] : memref<128x16xf32, #tpu.memory_space<vmem>>, vector<128x16xf32>
    %dot_general3A_19 = arith.constant dense<0.000000e+00> : vector<2000x16xf32>
    %dot_general3A_20 = tpu.matmul %dot_general3A_5, %get3A_18, %dot_general3A_19 {dimension_numbers = #tpu.dot_dimension_numbers<[1], [0], [0], [1], [0, 0, 1, 1], [], []>, transpose_lhs_hint = false} : vector<2000x128xf32>, vector<128x16xf32>, vector<2000x16xf32> -> vector<2000x16xf32>
    %swap3A_21 = arith.constant 0 : index
    %swap3A_22 = arith.constant 0 : index
    %swap3A_23 = vector.load %arg6[%swap3A_21, %swap3A_22] : memref<2000x16xf32, #tpu.memory_space<vmem>>, vector<2000x16xf32>
    tpu.vector_store %arg6[%swap3A_21, %swap3A_22], %dot_general3A_20 {strides = array<i32>} : memref<2000x16xf32, #tpu.memory_space<vmem>>, vector<2000x16xf32>,
    return
  }
  func.func @transform_0(%arg0: i32) -> (i32, i32) {
    %c0_i32 = arith.constant 0 : i32
    %c0_i32_0 = arith.constant 0 : i32
    return %arg0, %c0_i32 : i32, i32
  }
  func.func @transform_1(%arg0: i32) -> (i32, i32) {
    %c0_i32 = arith.constant 0 : i32
    %c0_i32_0 = arith.constant 0 : i32
    %c0_i32_1 = arith.constant 0 : i32
    return %c0_i32, %c0_i32_0 : i32, i32
  }
  func.func @transform_2(%arg0: i32) -> (i32, i32) {
    %c0_i32 = arith.constant 0 : i32
    %c0_i32_0 = arith.constant 0 : i32
    %c0_i32_1 = arith.constant 0 : i32
    return %c0_i32, %c0_i32_0 : i32, i32
  }
  func.func @transform_3(%arg0: i32) -> (i32, i32) {
    %c0_i32 = arith.constant 0 : i32
    %c0_i32_0 = arith.constant 0 : i32
    %c0_i32_1 = arith.constant 0 : i32
    return %c0_i32, %c0_i32_0 : i32, i32
  }
  func.func @transform_4(%arg0: i32) -> (i32, i32) {
    %c0_i32 = arith.constant 0 : i32
    %c0_i32_0 = arith.constant 0 : i32
    return %arg0, %c0_i32 : i32, i32
  }
  func.func @transform_5(%arg0: i32) -> (i32, i32) {
    %c0_i32 = arith.constant 0 : i32
    %c0_i32_0 = arith.constant 0 : i32
    return %arg0, %c0_i32 : i32, i32
  }
}

module attributes {stable_mosaic.version = 14 : i64} {
  func.func @body(%arg0: i32, %arg1: memref<2000x144xf32, #tpu.memory_space<vmem>>, %arg2: memref<2000x16xf32, #tpu.memory_space<vmem>>, %arg3: memref<2x2000x144xf32, #tpu.memory_space<vmem>>, %arg4: memref<4x128xf32, #tpu.memory_space<vmem>>, %arg5: memref<1x128xf32, #tpu.memory_space<vmem>>, %arg6: memref<2000x128xf32, #tpu.memory_space<vmem>>) attributes {dimension_semantics = [#tpu.dimension_semantics<arbitrary>], iteration_bounds = array<i64: 5>, scalar_prefetch = 0 : i64, scratch_operands = 0 : i64, tpu.core_type = #tpu.core_type<tc>, window_params = [{transform_indices = @transform_0, window_bounds = array<i64: 2000, 144>}, {transform_indices = @transform_1, window_bounds = array<i64: 2000, 16>}, {transform_indices = @transform_2, window_bounds = array<i64: 2, 2000, 144>}, {pipeline_mode = #tpu.pipeline_mode<synchronous>, transform_indices = @transform_3, window_bounds = array<i64: 4, 128>}, {pipeline_mode = #tpu.pipeline_mode<synchronous>, transform_indices = @transform_4, window_bounds = array<i64: 1, 128>}, {transform_indices = @transform_5, window_bounds = array<i64: 2000, 128>}]} {
    %get3A = arith.constant 0 : index
    %get3A_0 = arith.constant 0 : index
    %get3A_1 = vector.load %arg1[%get3A, %get3A_0] : memref<2000x144xf32, #tpu.memory_space<vmem>>, vector<2000x128xf32>
    %get3A_2 = arith.constant 0 : index
    %get3A_3 = arith.constant 128 : index
    %get3A_4 = vector.load %arg1[%get3A_2, %get3A_3] : memref<2000x144xf32, #tpu.memory_space<vmem>>, vector<2000x4xf32>
    %get3A_5 = arith.constant 0 : index
    %get3A_6 = arith.constant 0 : index
    %get3A_7 = vector.load %arg2[%get3A_5, %get3A_6] : memref<2000x16xf32, #tpu.memory_space<vmem>>, vector<2000x4xf32>
    %add3A = arith.addf %get3A_4, %get3A_7 : vector<2000x4xf32>
    %ge3A = arith.constant 0.000000e+00 : f32
    %ge3A_8 = vector.broadcast %ge3A : f32 to vector<2000x4xf32>
    %ge3A_9 = arith.cmpf oge, %add3A, %ge3A_8 : vector<2000x4xf32>
    %mul3A = arith.constant 2.000000e-01 : f32
    %mul3A_10 = vector.broadcast %mul3A : f32 to vector<2000x4xf32>
    %mul3A_11 = arith.mulf %add3A, %mul3A_10 : vector<2000x4xf32>
    %select_n3A = arith.select %ge3A_9, %add3A, %mul3A_11 : vector<2000x4xi1>, vector<2000x4xf32>
    %exp3A = math.exp %select_n3A : vector<2000x4xf32>
    %get3A_12 = arith.constant 0 : index
    %get3A_13 = arith.constant 0 : index
    %get3A_14 = arith.constant 0 : index
    %get3A_15 = vector.load %arg3[%get3A_12, %get3A_13, %get3A_14] : memref<2x2000x144xf32, #tpu.memory_space<vmem>>, vector<1x2000x144xf32>
    %get3A_16 = vector.shape_cast %get3A_15 : vector<1x2000x144xf32> to vector<2000x144xf32>
    %get3A_17 = arith.constant 1 : index
    %get3A_18 = arith.constant 0 : index
    %get3A_19 = arith.constant 0 : index
    %get3A_20 = vector.load %arg3[%get3A_17, %get3A_18, %get3A_19] : memref<2x2000x144xf32, #tpu.memory_space<vmem>>, vector<1x2000x144xf32>
    %get3A_21 = vector.shape_cast %get3A_20 : vector<1x2000x144xf32> to vector<2000x144xf32>
    %add3A_22 = arith.addf %get3A_16, %get3A_21 : vector<2000x144xf32>
    %slice3A = vector.extract_strided_slice %add3A_22 {offsets = [0, 0], sizes = [2000, 128], strides = [1, 1]} : vector<2000x144xf32> to vector<2000x128xf32>
    %get3A_23 = arith.constant 0 : index
    %get3A_24 = arith.constant 0 : index
    %get3A_25 = vector.load %arg4[%get3A_23, %get3A_24] : memref<4x128xf32, #tpu.memory_space<vmem>>, vector<4x128xf32>
    %dot_general3A = arith.constant dense<0.000000e+00> : vector<2000x128xf32>
    %dot_general3A_26 = tpu.matmul %exp3A, %get3A_25, %dot_general3A {dimension_numbers = #tpu.dot_dimension_numbers<[1], [0], [0], [1], [0, 0, 1, 1], [], []>, transpose_lhs_hint = false} : vector<2000x4xf32>, vector<4x128xf32>, vector<2000x128xf32> -> vector<2000x128xf32>
    %mul3A_27 = arith.mulf %get3A_1, %dot_general3A_26 : vector<2000x128xf32>
    %add3A_28 = arith.addf %slice3A, %mul3A_27 : vector<2000x128xf32>
    %slice3A_29 = vector.extract_strided_slice %add3A_22 {offsets = [0, 128], sizes = [2000, 4], strides = [1, 1]} : vector<2000x144xf32> to vector<2000x4xf32>
    %add3A_30 = arith.addf %slice3A_29, %exp3A : vector<2000x4xf32>
    %get3A_31 = arith.constant 0 : index
    %get3A_32 = arith.constant 0 : index
    %get3A_33 = vector.load %arg4[%get3A_31, %get3A_32] : memref<4x128xf32, #tpu.memory_space<vmem>>, vector<4x128xf32>
    %dot_general3A_34 = arith.constant dense<0.000000e+00> : vector<2000x128xf32>
    %dot_general3A_35 = tpu.matmul %add3A_30, %get3A_33, %dot_general3A_34 {dimension_numbers = #tpu.dot_dimension_numbers<[1], [0], [0], [1], [0, 0, 1, 1], [], []>, transpose_lhs_hint = false} : vector<2000x4xf32>, vector<4x128xf32>, vector<2000x128xf32> -> vector<2000x128xf32>
    %add3A_36 = arith.constant 1.000000e-16 : f32
    %add3A_37 = vector.broadcast %add3A_36 : f32 to vector<2000x128xf32>
    %add3A_38 = arith.addf %dot_general3A_35, %add3A_37 : vector<2000x128xf32>
    %div3A = arith.divf %add3A_28, %add3A_38 : vector<2000x128xf32>
    %get3A_39 = arith.constant 0 : index
    %get3A_40 = arith.constant 0 : index
    %get3A_41 = vector.load %arg5[%get3A_39, %get3A_40] : memref<1x128xf32, #tpu.memory_space<vmem>>, vector<1x128xf32>
    %add3A_42 = vector.broadcast %get3A_41 : vector<1x128xf32> to vector<2000x128xf32>
    %add3A_43 = arith.addf %div3A, %add3A_42 : vector<2000x128xf32>
    %swap3A = arith.constant 0 : index
    %swap3A_44 = arith.constant 0 : index
    %swap3A_45 = vector.load %arg6[%swap3A, %swap3A_44] : memref<2000x128xf32, #tpu.memory_space<vmem>>, vector<2000x128xf32>
    tpu.vector_store %arg6[%swap3A, %swap3A_44], %add3A_43 {strides = array<i32>} : memref<2000x128xf32, #tpu.memory_space<vmem>>, vector<2000x128xf32>,
    return
  }
  func.func @transform_0(%arg0: i32) -> (i32, i32) {
    %c0_i32 = arith.constant 0 : i32
    %c0_i32_0 = arith.constant 0 : i32
    return %arg0, %c0_i32 : i32, i32
  }
  func.func @transform_1(%arg0: i32) -> (i32, i32) {
    %c0_i32 = arith.constant 0 : i32
    %c0_i32_0 = arith.constant 0 : i32
    return %arg0, %c0_i32 : i32, i32
  }
  func.func @transform_2(%arg0: i32) -> (i32, i32, i32) {
    %c0_i32 = arith.constant 0 : i32
    %c0_i32_0 = arith.constant 0 : i32
    %c0_i32_1 = arith.constant 0 : i32
    return %c0_i32, %arg0, %c0_i32_0 : i32, i32, i32
  }
  func.func @transform_3(%arg0: i32) -> (i32, i32) {
    %c0_i32 = arith.constant 0 : i32
    %c0_i32_0 = arith.constant 0 : i32
    %c0_i32_1 = arith.constant 0 : i32
    return %c0_i32, %c0_i32_0 : i32, i32
  }
  func.func @transform_4(%arg0: i32) -> (i32, i32) {
    %c0_i32 = arith.constant 0 : i32
    %c0_i32_0 = arith.constant 0 : i32
    %c0_i32_1 = arith.constant 0 : i32
    return %c0_i32, %c0_i32_0 : i32, i32
  }
  func.func @transform_5(%arg0: i32) -> (i32, i32) {
    %c0_i32 = arith.constant 0 : i32
    %c0_i32_0 = arith.constant 0 : i32
    return %arg0, %c0_i32 : i32, i32
  }
}

</mosaic_0001>

<sc_bundles>
// kernel: kernel.5.cloned.1.call-start
scs
__scs_entry_jumppad:
0x0: {  	(pc) =	sbr.rel $0x88, $3  }
0x1: {  	(tag) =	ssettag $0x0;
	lr =	simm.s32 $0x1  }
0x2: {  	[smem:$0x3F9B] =	sst lr;
	_ =	strace $0xD0000000  }
0x3: {  	_ = 	snop  }
0x4: {  	_ = 	snop  }
0x5: {  	_ = 	snop  }
0x6: {  	_ = 	snop  }
0x7: {  	_ = 	snop  }
__scs_overlays_trampoline_lowered:
0x8: {  	[smem:$0x3FAA] =	sst s0  }
0x9: {  	[smem:$0x3FAB] =	sst s1  }
0xa: {  	[smem:$0x3FAC] =	sst s2  }
0xb: {  	[smem:$0x3FAD] =	sst s3  }
0xc: {  	[smem:$0x3FAE] =	sst s4  }
0xd: {  	[smem:$0x3FAF] =	sst s5  }
0xe: {  	[smem:$0x3FB0] =	sst s6  }
0xf: {  	[smem:$0x3FB1] =	sst s7  }
0x10: {  	[smem:$0x3FB2] =	sst s8  }
0x11: {  	[smem:$0x3FB3] =	sst s9;
	s0 =	simm.s32 @!p0 $0x0  }
0x12: {  	s1 =	sld [smem:$0x3F99];
	s0 =	simm.s32 @p0 $0x1  }
0x13: {  	[smem:$0x3FB4] =	sst s0;
	s0 =	simm.s32 @!p1 $0x0  }
0x14: {  	s2 =	sld [smem:$0x3F98];
	s0 =	simm.s32 @p1 $0x1  }
0x15: {  	[smem:$0x3FB5] =	sst s0;
	s0 =	simm.s32 @!p2 $0x0  }
0x16: {  	s3 =	sld [smem:$0x3FDB];
	s0 =	simm.s32 @p2 $0x1  }
0x17: {  	s4 =	simm.s32 $0x1BF5;
	[smem:$0x3FB7] =	sst s0  }
0x18: {  	s0 =	sld [smem:$0x3F9A];
	_ =	swait.ge [sflag:s4], $0x0  }
0x19: {  	s7 =	sld [smem:$0x3F9B]  }
0x1a: {  	s8 =	sadd.s32 $0xFFFFE003, lr  }
0x1b: {  	s9 =	sadd.s32 $0xFFFFFEF7, lr;
	s5 =	simm.s32 $0xFFFFFFFF;
	p2 =	slt.u32 s8, $0xFFFFF086  }
0x1c: {  	p1 =	slt.u32 s9, $0xF7A;
	s5 =	simm.s32 @!p2 $0x0  }
0x1d: {  	s5 =	simm.s32 @p1 $0x1;
	p0 =	seq.s32 s7, s2  }
0x1e: {  	s7 =	smul.u32 @!p0 $0xF7A, s2;
	p2 =	seq.s32 @!p0 s5, $0x0  }
0x1f: {  	s9 =	smul.u32 $0xF7A, s1;
	s8 =	simm.s32 @!p0 $0x1BF5;
	p2 =	por !p2, p0  }
0x20: {  	[sflag:s8] =	ssyncset.s32 @!p0 $0xFFFFF086;
	s6 =	sadd.s32 @!p0 s3, s7;
	s7 =	simm.s32 @!p0 $0x108  }
0x21: {  	s3 =	sadd.s32 s3, s9;
	s6 =	sadd.s32 @!p0 $0x88, s6;
	s7 =	simm.s32 @p2 $0x1082  }
0x22: {  	[simem:s7], [sflag:s8] =	dma.local @!p0 [hbm:s6], $0xF7A  }
0x23: {  	s9 =	sor.u32 $0xD0000000, s2;
	s6 =	simm.s32 $0x108;
	_ =	swait.ge @!p0 [sflag:s8], $0x0  }
0x24: {  	s3 =	sadd.s32 $0x88, s3;
	s6 =	simm.s32 @!p1 $0x1082;
	[sflag:s4] =	ssyncset.s32 $0xFFFFF086  }
0x25: {  	[simem:s6], [sflag:s4] =	dma.local [hbm:s3], $0xF7A  }
0x26: {  	[smem:$0x3F9B] =	sst s1;
	(tag) =	ssettag s2;
	_ =	strace s9  }
0x27: {  	s1 =	sld [smem:$0x3FAB]  }
0x28: {  	s2 =	sld [smem:$0x3FAC]  }
0x29: {  	s4 =	sld [smem:$0x3FAE]  }
0x2a: {  	p0 =	seq.s32 s5, $0x0;
	s5 =	sld [smem:$0x3FAF]  }
0x2b: {  	s6 =	sld [smem:$0x3FB0]  }
0x2c: {  	s7 =	sld [smem:$0x3FB1]  }
0x2d: {  	s3 =	simm.s32 $0x108;
	s8 =	sld [smem:$0x3FB2]  }
0x2e: {  	s3 =	simm.s32 @!p0 $0x1082;
	s9 =	sld [smem:$0x3FB3]  }
0x2f: {  	lr =	sadd.s32 s0, s3;
	s0 =	sld [smem:$0x3FAA]  }
0x30: {  	s3 =	sld [smem:$0x3FAD]  }
0x31: {  	[smem:$0x3FB6] =	sst s10  }
0x32: {  	s10 =	sld [smem:$0x3FB4];
	_ =	sdelay $0x3  }
0x33: {  	p0 =	seq.s32 s10, $0x1;
	s10 =	sld [smem:$0x3FB6];
	_ =	sdelay $0x3  }
0x34: {  	[smem:$0x3FB6] =	sst s10  }
0x35: {  	s10 =	sld [smem:$0x3FB5];
	_ =	sdelay $0x3  }
0x36: {  	p1 =	seq.s32 s10, $0x1;
	s10 =	sld [smem:$0x3FB6];
	_ =	sdelay $0x3  }
0x37: {  	[smem:$0x3FB6] =	sst s10  }
0x38: {  	s10 =	sld [smem:$0x3FB7]  }
0x39: {  	_ = 	snop;
	(pc) =	sbr.ind lr, $3  }
0x3a: {  	_ = 	snop  }
0x3b: {  	_ = 	snop  }
0x3c: {  	p2 =	seq.s32 s10, $0x1;
	s10 =	sld [smem:$0x3FB6]  }
0x3d: {  	_ =	shalt  }
0x3e: {  	_ =	shalt  }
0x3f: {  	_ =	shalt  }
0x40: {  	_ =	shalt  }
0x41: {  	_ =	shalt  }
0x42: {  	_ =	shalt  }
0x43: {  	_ =	shalt  }
0x44: {  	_ =	shalt  }
0x45: {  	_ =	shalt  }
0x46: {  	_ =	shalt  }
0x47: {  	_ =	shalt  }
0x48: {  	_ =	shalt  }
0x49: {  	_ =	shalt  }
0x4a: {  	_ =	shalt  }
0x4b: {  	_ =	shalt  }
0x4c: {  	_ =	shalt  }
0x4d: {  	_ =	shalt  }
0x4e: {  	_ =	shalt  }
0x4f: {  	_ =	shalt  }
0x50: {  	_ =	shalt  }
0x51: {  	_ =	shalt  }
0x52: {  	_ =	shalt  }
0x53: {  	_ =	shalt  }
0x54: {  	_ =	shalt  }
0x55: {  	_ =	shalt  }
0x56: {  	_ =	shalt  }
0x57: {  	_ =	shalt  }
0x58: {  	_ =	shalt  }
0x59: {  	_ =	shalt  }
0x5a: {  	_ =	shalt  }
0x5b: {  	_ =	shalt  }
0x5c: {  	_ =	shalt  }
0x5d: {  	_ =	shalt  }
0x5e: {  	_ =	shalt  }
0x5f: {  	_ =	shalt  }
0x60: {  	_ =	shalt  }
0x61: {  	_ =	shalt  }
0x62: {  	_ =	shalt  }
0x63: {  	_ =	shalt  }
0x64: {  	_ =	shalt  }
0x65: {  	_ =	shalt  }
0x66: {  	_ =	shalt  }
0x67: {  	_ =	shalt  }
0x68: {  	_ =	shalt  }
0x69: {  	_ =	shalt  }
0x6a: {  	_ =	shalt  }
0x6b: {  	_ =	shalt  }
0x6c: {  	_ =	shalt  }
0x6d: {  	_ =	shalt  }
0x6e: {  	_ =	shalt  }
0x6f: {  	_ =	shalt  }
0x70: {  	_ =	shalt  }
0x71: {  	_ =	shalt  }
0x72: {  	_ =	shalt  }
0x73: {  	_ =	shalt  }
0x74: {  	_ =	shalt  }
0x75: {  	_ =	shalt  }
0x76: {  	_ =	shalt  }
0x77: {  	_ =	shalt  }
0x78: {  	_ =	shalt  }
0x79: {  	_ =	shalt  }
0x7a: {  	_ =	shalt  }
0x7b: {  	_ =	shalt  }
0x7c: {  	_ =	shalt  }
0x7d: {  	_ =	shalt  }
0x7e: {  	_ =	shalt  }
0x7f: {  	_ =	shalt  }
0x80: {  	_ =	shalt  }
0x81: {  	_ =	shalt  }
0x82: {  	_ =	shalt  }
0x83: {  	_ =	shalt  }
0x84: {  	_ =	shalt  }
0x85: {  	_ =	shalt  }
0x86: {  	_ =	shalt  }
0x87: {  	_ =	shalt  }
.Lfunc_end0:
.L_simem_size_0:
called_computation_lowered:
.L_overlay_start_0:
0x88: {  	s2 =	sld [smem:$0x3FD9]  }
0x89: {  	s3 =	sld [smem:$0x3FFE];
	_ =	sdelay $0x1  }
0x8a: {  	s1 =	srdreg.scid  }
0x8b: {  	s0 =	sand.u32 $0x1, s1  }
0x8c: {  	s17 =	sshll.u32 s0, $0xA;
	s2 =	sadd.s32 s3, s2  }
0x8d: {  	s2 =	sadd.s32 s2, s17  }
0x8e: {  	[smem:$0x3FC2] =	sst s2  }
0x8f: {  	_ = 	snop  }
0x90: {  	s2 =	sld [smem:$0x3FD0];
	(tm) =	ssettm $0x1  }
0x91: {  	s18 =	sld [smem:$0x3FFB];
	_ =	sdelay $0x3  }
0x92: {  	_ =	strace s18  }
0x93: {  	s3 =	sld [smem:$0x3FFC];
	_ =	sdelay $0x3  }
0x94: {  	_ =	strace s3  }
0x95: {  	s3 =	sld [smem:$0x3FFD];
	_ =	sdelay $0x3  }
0x96: {  	_ =	strace s3  }
0x97: {  	_ =	strace $0x8FFFFFFF  }
0x98: {  	s19 =	sld [smem:$0x3FDB];
	_ =	sdelay $0x1  }
0x99: {  	s4 =	simm.s32 $_scs_section_size  }
0x9a: {  	s5 =	simm.s32 $_size__tile_overlayer_lowered;
	s6 =	simm.s32 $_tile_overlayer_lowered  }
0x9b: {  	s22 =	simm.s32 $0x1BFF;
	s21 =	sshll.u32 s6, $0x1;
	s3 =	sadd.s32 s4, s19  }
0x9c: {  	s7 =	simm.s32 $0x0;
	s20 =	sshll.u32 s5, $0x1;
	s5 =	sadd.s32 s21, s3  }
0x9d: {  	[timem:s7], [sflag:s22] =	dma.local [hbm:s5], s20  }
0x9e: {  	_ =	swait.ge [sflag:s22], s20  }
0x9f: {  	s4 =	ssub.s32 $0x0, s20;
	[sflag:s22] =	ssyncset.done $0x0  }
0xa0: {  	[sflag:s22] =	ssyncadd.s32 s4;
	_ =	sdelay $0x1  }
0xa1: {  	s23 =	simm.s32 $0x1B8B  }
0xa2: {  	_ =	swait.ge [sflag:s23], $0x1  }
0xa3: {  	[sflag:s23] =	ssyncset.done $0x0  }
0xa4: {  	s25 =	simm.s32 $0x1B8E;
	s24 =	sld [smem:$0x3FFE];
	[sflag:s23] =	ssyncadd.s32 $0xFFFFFFFF  }
0xa5: {  	s26 =	simm.s32 $execute0_lowered;
	[smem:$0x3FD2] =	sst s25  }
0xa6: {  	s5 =	sshll.u32 s26, $0x1;
	_ =	strace $0x80000046;
	[dreg:$0x1] =	wrdreg $0xFFFFFFFF  }
0xa7: {  	s28 =	simm.s32 $_size_execute0_lowered;
	s3 =	sadd.s32 s3, s5;
	[dreg:$0x0] =	wrdreg $0x0  }
0xa8: {  	s5 =	sshll.u32 s28, $0x1;
	[dreg:$0x2] =	wrdreg s3  }
0xa9: {  	[dreg:$0x3] =	wrdreg s5  }
0xaa: {  	[dreg:$0x4] =	wrdreg $0xC0  }
0xab: {  	_ =	task [dreg:s7], $0x5FFFF  }
0xac: {  	[dreg:$0x1] =	wrdreg $0xFFFFFFFF  }
0xad: {  	[dreg:$0x0] =	wrdreg $0x60  }
0xae: {  	[dreg:$0x2] =	wrdreg s24  }
0xaf: {  	[dreg:$0x3] =	wrdreg s2  }
0xb0: {  	[dreg:$0x4] =	wrdreg $0x78F00  }
0xb1: {  	[dreg:$0x5] =	wrdreg $0x9  }
0xb2: {  	_ =	task.clear_ibuf [dreg:s7], $0x6FFFF;
	_ =	strace $0x90000046  }
0xb3: {  	s29 =	simm.s32 $0x9;
	_ =	strace $0x80000048  }
0xb4: {  	_ =	swait.ge [sflag:s29], $0x1  }
0xb5: {  	[sflag:s29] =	ssyncadd.s32 $0xFFFFFFFF  }
0xb6: {  	_ =	strace $0x90000048  }
0xb7: {  	_ =	sfence  }
0xb8: {  	s30 =	sld [smem:$0x0];
	_ =	sdelay $0x2  }
0xb9: {  	s31 =	sshll.u32 s1, $0xD;
	s1 =	sshrl.u32 s1, $0x2  }
0xba: {  	s3 =	sand.u32 $0x4000, s31;
	s1 =	sadd.s32 s1, s30  }
0xbb: {  	s0 =	sor.u32 s3, s0;
	s1 =	sshll.u32 s1, $0x11  }
0xbc: {  	s0 =	sor.u32 s1, s0  }
0xbd: {  	s0 =	sadd.s32 $0x8F2B, s0  }
0xbe: {  	[sflag:s0] =	ssyncadd.remote.s32 $0x1  }
0xbf: {  	_ =	sfence.sel $0xFFFF  }
0xc0: {  	[dreg:$0x0] =	wrdreg $0xFFFFFFFF;
	(pc) =	sbr.abs _section_cstart, $3  }
0xc1: {  	[dreg:$0x1] =	wrdreg $0xFFFFFFFF  }
0xc2: {  	_ =	task.clear_ibuf [dreg:s7], $0x2FFFF;
	_ =	strace $0x9FFFFFFF  }
0xc3: {  	(tm) =	ssettm $0x7FFFFFFF  }
tec
execute0_lowered:
.L_overlay_start_1:
0x0: {  	(tag) =	ssettag $0x1  }
0x1: {  	s0 =	rddreg [dreg:$0x0]  }
0x2: {  	s1 =	rddreg [dreg:$0x1]  }
0x3: {  	s2 =	rddreg [dreg:$0x2];
	s3 =	simm.s32 $0x0  }
0x4: {  	s4 =	srdreg.scid;
	s10 =	stileid.u32;
	s20 =	simm.s32 $0x32A0  }
0x5: {  	s21 =	simm.s32 $0x3;
	s22 =	simm.s32 $0x50;
	s23 =	simm.s32 $0xA0  }
0x6: {  	s24 =	simm.s32 $0x1;
	s25 =	simm.s32 $0x2;
	s26 =	simm.s32 $0x0  }
0x7: {  	[smem:$0x7FF] =	sst s3;
	s5 =	sadd.s32 $0x800, s0;
	s6 =	sadd.s32 $0x2C800, s0  }
0x8: {  	s7 =	sadd.s32 $0x31800, s0;
	s4 =	sand.u32 $0x1, s4;
	s13 =	smul.u32 $0x271, s10  }
0x9: {  	s0 =	sadd.s32 $0x3B600, s0;
	s14 =	smul.u32 $0x57E40, s10;
	_ =	strace $0x80000047  }
0xa: {  	s8 =	sshll.u32 s4, $0x4;
	s9 =	ssub.s32 $0x2, s4;
	s4 =	smul.u32 $0x2710, s4  }
0xb: {  	s8 =	sor.u32 s10, s8;
	s28 =	sshrl.u32 s9, $0x1;
	s15 =	sadd.s32 $0x7D, s13  }
0xc: {  	s29 =	sshrl.u32 s14, $0x2;
	s12 =	sadd.s32 $0x23280, s14;
	s16 =	sadd.s32 $0x34BC0, s14  }
0xd: {  	s14 =	sadd.s32 $0x46500, s14;
	s8 =	smul.u32 $0x2710, s8;
	s10 =	ssub.s32 s9, s28  }
0xe: {  	s11 =	smul.u32 $0x240, s15;
	s9 =	sadd.s32 s29, s2;
	s12 =	sshrl.u32 s12, $0x2  }
0xf: {  	s13 =	sadd.s32 s4, s13;
	s4 =	sadd.s32 s4, s15;
	s30 =	sshrl.u32 s16, $0x2  }
0x10: {  	s31 =	sshrl.u32 s14, $0x2;
	s10 =	smax.u32 s10, $0x1;
	s17 =	smul.u32 $0x12, s13  }
0x11: {  	s12 =	sadd.s32 s12, s2;
	s4 =	smul.u32 $0x12, s4;
	s13 =	sadd.s32 s30, s2  }
0x12: {  	s15 =	sadd.s32 s31, s2;
	[dreg:$0x4] =	wrdreg s10;
	s11 =	sshrl.u32 s11, $0x2  }
0x13: {  	s11 =	sadd.s32 s11, s2;
	s14 =	sadd.s32 s0, s17;
	s16 =	sadd.s32 s0, s4  }
0x14: {  	v0 =	vimm.f32 $0.0e+00;
	s17 =	sadd.s32 $0x1194, s14;
	s18 =	sadd.s32 $0x1A5E, s14;
	s19 =	sadd.s32 $0x2328, s14  }
.LBB2_1:
0x15: {  	s0 =	smul.u32 $0xE38F, s3;
	_ =	sdelay $0x1  }
0x16: {  	s4 =	sshrl.u32 s0, $0x13  }
0x17: {  	s28 =	simm.s32 $0x0;
	s0 =	simm.s32 $0x1;
	s29 =	smul.u32 $0x9, s4  }
.LBB2_2:
0x18: {  	s30 =	smul.u32 $0xE38F, s0  }
0x19: {  	s31 =	smov.u32 s0;
	s4 =	smul.u32 $0x240, s4;
	p0 =	sne.s32 s0, $0x464  }
.Ltmp0:
0x1a: {  	s28 =	ssub.s32 s28, s29;
	(pc) =	sbr.rel @p0 .LBB2_2-.Ltmp0, $4  }
0x1b: {  	s0 =	sadd.s32 $0x1, s0;
	s28 =	sand.u32 $0xFFFF, s28  }
0x1c: {  	s29 =	sshrl.u32 s4, $0x2;
	s10 =	sshll.u32 s28, $0x4;
	s28 =	smov.u32 s31  }
0x1d: {  	s4 =	sshrl.u32 s30, $0x13;
	s10 =	sadd.s32 s10, s29  }
0x1e: {  	s29 =	smul.u32 $0x9, s4;
	[tilespmem:s10+$0x32A0] =	vst v0  }
0x1f: {  	_ = 	snop  }
0x20: {  	s4 =	smul.u32 $0x240, s4;
	s0 =	ssub.s32 s28, s29  }
0x21: {  	s0 =	sand.u32 $0xFFFF, s0  }
0x22: {  	s4 =	sshrl.u32 s4, $0x2;
	s0 =	sshll.u32 s0, $0x4  }
0x23: {  	s0 =	sadd.s32 s0, s4  }
0x24: {  	[tilespmem:s0+$0x32A0] =	vst v0  }
0x25: {  	[spmem:s9] =	stream.linear.scatter [tilespmem:s20], [sflag:$0x3], $0x4650, $0x38;
	[tilespmem:$0x1D880] =	vst v63  }
0x26: {  	_ =	swait.ge [sflag:s21], $0x4650  }
0x27: {  	[sflag:s21] =	ssyncset.done $0x0  }
0x28: {  	[sflag:s21] =	ssyncadd.s32 $0xFFFFB9B0  }
0x29: {  	[spmem:s11] =	stream.linear.scatter [tilespmem:s20], [sflag:$0x3], $0x4650, $0x38;
	[tilespmem:$0x1D880] =	vst v63  }
0x2a: {  	_ =	swait.ge [sflag:s21], $0x4650  }
0x2b: {  	[sflag:s21] =	ssyncset.done $0x0  }
0x2c: {  	[sflag:s21] =	ssyncadd.s32 $0xFFFFB9B0  }
0x2d: {  	[spmem:s12] =	stream.linear.scatter [tilespmem:s20], [sflag:$0x3], $0x4650, $0x38;
	[tilespmem:$0x1D880] =	vst v63  }
0x2e: {  	_ =	swait.ge [sflag:s21], $0x4650  }
0x2f: {  	[sflag:s21] =	ssyncset.done $0x0  }
0x30: {  	[sflag:s21] =	ssyncadd.s32 $0xFFFFB9B0  }
0x31: {  	[spmem:s13] =	stream.linear.scatter [tilespmem:s20], [sflag:$0x3], $0x4650, $0x38;
	[tilespmem:$0x1D880] =	vst v63  }
0x32: {  	_ =	swait.ge [sflag:s21], $0x4650  }
0x33: {  	[sflag:s21] =	ssyncset.done $0x0  }
0x34: {  	[sflag:s21] =	ssyncadd.s32 $0xFFFFB9B0  }
0x35: {  	[spmem:s15] =	stream.linear.scatter [tilespmem:s20], [sflag:$0x3], $0x4650, $0x38;
	[tilespmem:$0x1D880] =	vst v63  }
0x36: {  	_ =	swait.ge [sflag:s21], $0x4650  }
0x37: {  	[sflag:s21] =	ssyncset.done $0x0  }
0x38: {  	[sflag:s21] =	ssyncadd.s32 $0xFFFFB9B0  }
0x39: {  	s28 =	simm.s32 $0x0;
	s29 =	simm.s32 $0x0;
	[bflag:$0x0] =	sbarrier.arrive $0xFFFF  }
.LBB2_4:
0x3a: {  	s0 =	smul.u32 $0x50, s29;
	_ =	sdelay $0x1  }
0x3b: {  	s0 =	sadd.s32 s8, s0  }
0x3c: {  	s0 =	sshrl.u32 s0, $0x3  }
0x3d: {  	s4 =	sadd.s32 s7, s0  }
0x3e: {  	[tilespmem:s28], [sflag:$0x3] =	stream.linear.gather [hbm4b:s4+s28], $0x50, $0x38;
	[tilespmem:$0x1D880] =	vst v63  }
0x3f: {  	_ =	swait.ge [sflag:s21], $0x50  }
0x40: {  	[sflag:s21] =	ssyncset.done $0x0  }
0x41: {  	s0 =	sadd.s32 s1, s0;
	[sflag:s21] =	ssyncadd.s32 $0xFFFFFFB0  }
0x42: {  	[tilespmem:s22], [sflag:$0x3] =	stream.linear.gather [hbm4b:s0+s28], $0x50, $0x38;
	[tilespmem:$0x1D880] =	vst v63  }
0x43: {  	_ =	swait.ge [sflag:s21], $0x50  }
0x44: {  	[sflag:s21] =	ssyncset.done $0x0  }
0x45: {  	[sflag:s21] =	ssyncadd.s32 $0xFFFFFFB0  }
0x46: {  	[tilespmem:s23], [sflag:$0x1] =	stream.indirect.gather [hbm4b:s5+s22], $0x90, s28, s22, $0xb8;
	[tilespmem:$0x1D880] =	vst v63  }
0x47: {  	s30 =	simm.s32 $0x2DA0  }
0x48: {  	[tilespmem:s30], [sflag:$0x2] =	stream.indirect.gather [hbm4b:s6+s22], $0x10, s22, s22, $0xb8;
	[tilespmem:$0x1D880] =	vst v63  }
0x49: {  	_ =	swait.ge [sflag:s24], $0x2D00  }
0x4a: {  	[sflag:s24] =	ssyncset.done $0x0  }
0x4b: {  	[sflag:s24] =	ssyncadd.s32 $0xFFFFD300  }
0x4c: {  	_ =	swait.ge [sflag:s25], $0x500  }
0x4d: {  	[sflag:s25] =	ssyncset.done $0x0  }
0x4e: {  	s31 =	simm.s32 $0xE0;
	[sflag:s25] =	ssyncadd.s32 $0xFFFFFB00  }
0x4f: {  	v1 =	vld [tilespmem:s31+$0x40]  }
0x50: {  	v2 =	vld [tilespmem:s30+$0x0];
	_ =	sdelay $0x4  }
0x51: {  	v1 =	vadd.f32 v2, v1;
	_ =	sdelay $0x1  }
0x52: {  	v2 =	vmul.f32 $2.000000030e-01, v1  }
0x53: {  	vm0 =	vge.f32 v1, $0.0e+00  }
0x54: {  	v1 =	vsel vm0, v1, v2  }
0x55: {  	v1 =	vmul.f32 $1.442695020e+00, v1;
	_ =	sdelay $0x1  }
0x56: {  	(erf) = vpow2.f32 v1  }
0x57: {  	v1 =	vmov s28  }
0x58: {  	v1 =	vmul.u32 $0x90, v1;
	_ =	sdelay $0x1  }
0x59: {  	v1 =	vadd.s32 $0x80, v1  }
0x5a: {  	v1 =	vbroadcast v1, $0x0;
	_ =	sdelay $0x3  }
0x5b: {  	v2 =	vpop (erf)  }
0x5c: {  	v3 =	vld [tilespmem:s31+$0xFFFFFFC0];
	[tilespmem:s31+$0x40] =	vst v2  }
0x5d: {  	v2 =	vld.idx.msk [tilespmem:v1+s23+$0x0], $0xffff  }
0x5e: {  	v4 =	vld [tilespmem:s31+$0xFFFFFFD0];
	_ =	sdelay $0x2  }
0x5f: {  	v5 =	vor.u32 $0x1, v1  }
0x60: {  	v3 =	vmul.f32 v3, v2  }
0x61: {  	v2 =	vmul.f32 v4, v2  }
0x62: {  	[tilespmem:s31+$0xFFFFFFC0] =	vst v3  }
0x63: {  	[tilespmem:s31+$0xFFFFFFD0] =	vst v2;
	v3 =	vld [tilespmem:s31+$0xFFFFFFE0]  }
0x64: {  	v2 =	vld.idx.msk [tilespmem:v5+s23+$0x0], $0xffff  }
0x65: {  	v4 =	vld [tilespmem:s31+$0xFFFFFFF0];
	_ =	sdelay $0x2  }
0x66: {  	v5 =	vor.u32 $0x2, v1  }
0x67: {  	v3 =	vmul.f32 v3, v2  }
0x68: {  	v2 =	vmul.f32 v4, v2  }
0x69: {  	[tilespmem:s31+$0xFFFFFFE0] =	vst v3  }
0x6a: {  	[tilespmem:s31+$0xFFFFFFF0] =	vst v2;
	v3 =	vld [tilespmem:s31+$0x0]  }
0x6b: {  	v2 =	vld.idx.msk [tilespmem:v5+s23+$0x0], $0xffff  }
0x6c: {  	v4 =	vld [tilespmem:s31+$0x10];
	_ =	sdelay $0x2  }
0x6d: {  	v5 =	vor.u32 $0x3, v1  }
0x6e: {  	v1 =	vmul.f32 v3, v2  }
0x6f: {  	v2 =	vmul.f32 v4, v2  }
0x70: {  	v3 =	vld [tilespmem:s31+$0x30];
	[tilespmem:s31+$0x0] =	vst v1  }
0x71: {  	[tilespmem:s31+$0x10] =	vst v2;
	v1 =	vld [tilespmem:s31+$0x20]  }
0x72: {  	s4 =	simm.s32 $0x1;
	s0 =	simm.s32 $0xE0;
	v2 =	vld.idx.msk [tilespmem:v5+s23+$0x0], $0xffff  }
.LBB2_5:
0x73: {  	_ =	sdelay $0x2  }
0x74: {  	p0 =	sne.s32 s4, $0x4F;
	s30 =	sadd.s32 $0x10, s30;
	s31 =	sadd.s32 $0x90, s31  }
0x75: {  	s10 =	smov.u32 s4;
	s4 =	sadd.s32 $0x1, s4;
	v1 =	vmul.f32 v1, v2;
	v2 =	vmul.f32 v3, v2;
	_ =	sdelay $0x1  }
0x76: {  	[tilespmem:s0+$0x20] =	vst v1  }
0x77: {  	v1 =	vld [tilespmem:s31+$0x40];
	[tilespmem:s0+$0x30] =	vst v2;
	s0 =	smov.u32 s31  }
0x78: {  	v2 =	vld [tilespmem:s30+$0x0];
	_ =	sdelay $0x4  }
0x79: {  	v1 =	vadd.f32 v2, v1;
	_ =	sdelay $0x1  }
0x7a: {  	v2 =	vmul.f32 $2.000000030e-01, v1  }
0x7b: {  	vm0 =	vge.f32 v1, $0.0e+00  }
0x7c: {  	v1 =	vsel vm0, v1, v2  }
0x7d: {  	v1 =	vmul.f32 $1.442695020e+00, v1;
	_ =	sdelay $0x1  }
0x7e: {  	(erf) = vpow2.f32 v1  }
0x7f: {  	v1 =	vmov s10  }
0x80: {  	v1 =	vmul.u32 $0x90, v1;
	_ =	sdelay $0x1  }
0x81: {  	v1 =	vadd.s32 $0x80, v1  }
0x82: {  	v1 =	vbroadcast v1, $0x0;
	_ =	sdelay $0x3  }
0x83: {  	v2 =	vpop (erf)  }
0x84: {  	[tilespmem:s31+$0x40] =	vst v2;
	v2 =	vld [tilespmem:s31+$0xFFFFFFD0]  }
0x85: {  	v3 =	vld.idx.msk [tilespmem:v1+s23+$0x0], $0xffff  }
0x86: {  	v4 =	vld [tilespmem:s31+$0xFFFFFFC0];
	_ =	sdelay $0x2  }
0x87: {  	v5 =	vor.u32 $0x1, v1;
	_ =	sdelay $0x1  }
0x88: {  	v2 =	vmul.f32 v2, v3;
	v4 =	vmul.f32 v4, v3;
	_ =	sdelay $0x1  }
0x89: {  	[tilespmem:s31+$0xFFFFFFC0] =	vst v4  }
0x8a: {  	[tilespmem:s31+$0xFFFFFFD0] =	vst v2;
	v2 =	vld [tilespmem:s31+$0xFFFFFFF0]  }
0x8b: {  	v3 =	vld.idx.msk [tilespmem:v5+s23+$0x0], $0xffff  }
0x8c: {  	v4 =	vld [tilespmem:s31+$0xFFFFFFE0];
	_ =	sdelay $0x1  }
0x8d: {  	v5 =	vor.u32 $0x2, v1;
	_ =	sdelay $0x2  }
0x8e: {  	v2 =	vmul.f32 v2, v3;
	v4 =	vmul.f32 v4, v3;
	_ =	sdelay $0x1  }
0x8f: {  	[tilespmem:s31+$0xFFFFFFE0] =	vst v4  }
0x90: {  	[tilespmem:s31+$0xFFFFFFF0] =	vst v2;
	v2 =	vld [tilespmem:s31+$0x10]  }
0x91: {  	v3 =	vld.idx.msk [tilespmem:v5+s23+$0x0], $0xffff  }
0x92: {  	v4 =	vld [tilespmem:s31+$0x0]  }
0x93: {  	v5 =	vor.u32 $0x3, v1;
	_ =	sdelay $0x3  }
0x94: {  	v2 =	vmul.f32 v2, v3;
	v1 =	vmul.f32 v4, v3  }
.Ltmp1:
0x95: {  	(pc) =	sbr.rel @p0 .LBB2_5-.Ltmp1, $4  }
0x96: {  	[tilespmem:s31+$0x0] =	vst v1  }
0x97: {  	[tilespmem:s31+$0x10] =	vst v2;
	v1 =	vld [tilespmem:s31+$0x20]  }
0x98: {  	v2 =	vld.idx.msk [tilespmem:v5+s23+$0x0], $0xffff  }
0x99: {  	v3 =	vld [tilespmem:s31+$0x30]  }
0x9a: {  	_ =	sdelay $0x2  }
0x9b: {  	v1 =	vmul.f32 v1, v2  }
0x9c: {  	s29 =	sadd.s32 $0x1, s29;
	v2 =	vmul.f32 v3, v2  }
0x9d: {  	p0 =	sne.s32 s29, $0x7D;
	[tilespmem:s0+$0x20] =	vst v1  }
.Ltmp2:
0x9e: {  	[tilespmem:s0+$0x30] =	vst v2;
	(pc) =	sbr.rel @p0 .LBB2_4-.Ltmp2, $4  }
0x9f: {  	[spmem:s2] =	stream.indirect.scatter.add.f32 [tilespmem:s23], [sflag:$0x3], $0x90, s22, s22, $0xb8;
	[tilespmem:$0x1D880] =	vst v63  }
0xa0: {  	_ =	swait.ge [sflag:s21], $0x2D00  }
0xa1: {  	[sflag:s21] =	ssyncset.done $0x0  }
0xa2: {  	[sflag:s21] =	ssyncadd.s32 $0xFFFFD300  }
0xa3: {  	[bflag:$0x0] =	sbarrier.arrive $0xFFFF  }
0xa4: {  	[tilespmem:s20], [sflag:$0x3] =	stream.linear.gather [spmem:s9], $0x4650, $0x38;
	[tilespmem:$0x1D880] =	vst v63  }
0xa5: {  	_ =	swait.ge [sflag:s21], $0x4650  }
0xa6: {  	[sflag:s21] =	ssyncset.done $0x0  }
0xa7: {  	[sflag:s21] =	ssyncadd.s32 $0xFFFFB9B0  }
0xa8: {  	[hbm4b:s14+s3] =	stream.linear.scatter [tilespmem:s20], [sflag:$0x3], $0x4650, $0x38;
	[tilespmem:$0x1D880] =	vst v63  }
0xa9: {  	_ =	swait.ge [sflag:s21], $0x4650  }
0xaa: {  	[sflag:s21] =	ssyncset.done $0x0  }
0xab: {  	[sflag:s21] =	ssyncadd.s32 $0xFFFFB9B0  }
0xac: {  	[tilespmem:s20], [sflag:$0x3] =	stream.linear.gather [spmem:s11], $0x4650, $0x38;
	[tilespmem:$0x1D880] =	vst v63  }
0xad: {  	_ =	swait.ge [sflag:s21], $0x4650  }
0xae: {  	[sflag:s21] =	ssyncset.done $0x0  }
0xaf: {  	[sflag:s21] =	ssyncadd.s32 $0xFFFFB9B0  }
0xb0: {  	[hbm4b:s16+s3] =	stream.linear.scatter [tilespmem:s20], [sflag:$0x3], $0x4650, $0x38;
	[tilespmem:$0x1D880] =	vst v63  }
0xb1: {  	_ =	swait.ge [sflag:s21], $0x4650  }
0xb2: {  	[sflag:s21] =	ssyncset.done $0x0  }
0xb3: {  	[sflag:s21] =	ssyncadd.s32 $0xFFFFB9B0  }
0xb4: {  	[tilespmem:s20], [sflag:$0x3] =	stream.linear.gather [spmem:s12], $0x4650, $0x38;
	[tilespmem:$0x1D880] =	vst v63  }
0xb5: {  	_ =	swait.ge [sflag:s21], $0x4650  }
0xb6: {  	[sflag:s21] =	ssyncset.done $0x0  }
0xb7: {  	[sflag:s21] =	ssyncadd.s32 $0xFFFFB9B0  }
0xb8: {  	[hbm4b:s17+s3] =	stream.linear.scatter [tilespmem:s20], [sflag:$0x3], $0x4650, $0x38;
	[tilespmem:$0x1D880] =	vst v63  }
0xb9: {  	_ =	swait.ge [sflag:s21], $0x4650  }
0xba: {  	[sflag:s21] =	ssyncset.done $0x0  }
0xbb: {  	[sflag:s21] =	ssyncadd.s32 $0xFFFFB9B0  }
0xbc: {  	[tilespmem:s20], [sflag:$0x3] =	stream.linear.gather [spmem:s13], $0x4650, $0x38;
	[tilespmem:$0x1D880] =	vst v63  }
0xbd: {  	_ =	swait.ge [sflag:s21], $0x4650  }
0xbe: {  	[sflag:s21] =	ssyncset.done $0x0  }
0xbf: {  	[sflag:s21] =	ssyncadd.s32 $0xFFFFB9B0  }
0xc0: {  	[hbm4b:s18+s3] =	stream.linear.scatter [tilespmem:s20], [sflag:$0x3], $0x4650, $0x38;
	[tilespmem:$0x1D880] =	vst v63  }
0xc1: {  	_ =	swait.ge [sflag:s21], $0x4650  }
0xc2: {  	[sflag:s21] =	ssyncset.done $0x0  }
0xc3: {  	[sflag:s21] =	ssyncadd.s32 $0xFFFFB9B0  }
0xc4: {  	[tilespmem:s20], [sflag:$0x3] =	stream.linear.gather [spmem:s15], $0x4650, $0x38;
	[tilespmem:$0x1D880] =	vst v63  }
0xc5: {  	_ =	swait.ge [sflag:s21], $0x4650  }
0xc6: {  	[sflag:s21] =	ssyncset.done $0x0  }
0xc7: {  	[sflag:s21] =	ssyncadd.s32 $0xFFFFB9B0  }
0xc8: {  	[hbm4b:s19+s3] =	stream.linear.scatter [tilespmem:s20], [sflag:$0x3], $0x4650, $0x38;
	[tilespmem:$0x1D880] =	vst v63  }
0xc9: {  	_ =	swait.ge [sflag:s21], $0x4650  }
0xca: {  	s26 =	sadd.s32 $0x1, s26;
	s0 =	rddreg [dreg:$0x4]  }
0xcb: {  	p0 =	sne.s32 s26, s0  }
.Ltmp3:
0xcc: {  	_ = 	snop;
	(pc) =	sbr.rel @p0 .LBB2_1-.Ltmp3, $3  }
0xcd: {  	_ =	sdelay $0x1  }
0xce: {  	[sflag:s21] =	ssyncset.done $0x0  }
0xcf: {  	[sflag:s21] =	ssyncadd.s32 $0xFFFFB9B0  }
0xd0: {  	_ =	sfence.sel $0x180000  }
0xd1: {  	[bflag:$0x0] =	sbarrier.arrive $0xFFFF  }
0xd2: {  	_ =	strace $0x90000047  }
0xd3: {  	s0 =	stileid.u32;
	[bflag:$0x2] =	sbarrier.arrive $0xFFFF  }
0xd4: {  	p0 =	sne.s32 s0, $0x0;
	s0 =	rddreg [dreg:$0x3]  }
0xd5: {  	s0 =	sadd.s32 @!p0 $0x100000, s0  }
0xd6: {  	[sflag:s0] =	ssyncadd.tile.s32 @!p0 $0x1;
	_ =	shalt  }
.Lfunc_end2:
_tile_overlayer_lowered:
.L_overlay_start_2:
0xd7: {  	(tag) =	ssettag $0x2  }
0xd8: {  	s0 =	rddreg [dreg:$0x0];
	s2 =	stileid.u32  }
0xd9: {  	s1 =	rddreg [dreg:$0x1];
	p0 =	sne.s32 s2, $0x0  }
0xda: {  	s3 =	rddreg [dreg:$0x2];
	[bflag:$0x3] =	sbarrier.arrive $0xFFFF;
	s2 =	simm.s32 @!p0 $0x1C03  }
0xdb: {  	[timem:s3], [sflag:s2] =	dma.local @!p0 [hbm:s0], s1  }
0xdc: {  	s0 =	simm.s32 @!p0 $0x3  }
0xdd: {  	_ =	swait.ge @!p0 [sflag:s0], s1  }
0xde: {  	s1 =	ssub.s32 @!p0 $0x0, s1;
	[sflag:s0] =	ssyncset.done @!p0 $0x0  }
0xdf: {  	[sflag:s0] =	ssyncadd.s32 @!p0 s1  }
0xe0: {  	[bflag:$0x3] =	sbarrier.arrive $0xFFFF  }
0xe1: {  	_ =	shalt  }

</sc_bundles>
